<compile_context>
chip_gen: v7x
topology: tpu7x:2x2x1
jax: 0.10.2.dev20260603
libtpu: 0.0.44.dev20260713+nightly
codegen_flags: <defaults>
</compile_context>

<pallas_src>
import functools

import jax
import jax.numpy as jnp
from jax import lax
from jax.experimental import pallas as pl
from jax.experimental.pallas import tpu as pltpu
from jax.experimental.pallas import tpu_sc as plsc

N_TOK = 16384
N_CODES = 8192
DIM = 256

BM = 512
BN = 1024
N_CHUNKS = N_CODES // BN
N_STEPS = N_TOK // BM

SC_CORES = 2
SC_SUBCORES = 16
NW = SC_CORES * SC_SUBCORES
ROWS_PER_W = N_TOK // NW
GCH = 128


def _vq_argmin_body(z_ref, w_ref, idx_ref, counts_ref, perp_ref, wsq_ref):
    i = pl.program_id(0)

    @pl.when(i == 0)
    def _():
        for jb in range(N_CHUNKS):
            w_blk = w_ref[jb * BN:(jb + 1) * BN, :]
            wsq_ref[0, jb * BN:(jb + 1) * BN] = jnp.sum(w_blk * w_blk, axis=1)

    z_blk = z_ref[...]
    zsq = jnp.sum(z_blk * z_blk, axis=1, keepdims=True)

    best_d = [jnp.full((BM, 1), jnp.inf, jnp.float32) for _ in range(2)]
    best_i = [jnp.zeros((BM, 1), jnp.int32) for _ in range(2)]
    colf = lax.broadcasted_iota(jnp.int32, (BM, BN), 1).astype(jnp.float32)
    for jb in range(N_CHUNKS):
        t = jb // (N_CHUNKS // 2)
        w_blk = w_ref[jb * BN:(jb + 1) * BN, :]
        wsq_row = wsq_ref[0:1, jb * BN:(jb + 1) * BN]
        mm = lax.dot_general(z_blk, w_blk, (((1,), (1,)), ((), ())),
                             preferred_element_type=jnp.float32)
        d = (zsq + wsq_row) - 2.0 * mm
        loc_min = jnp.min(d, axis=1, keepdims=True)
        cand = jnp.where(d == loc_min, colf, jnp.float32(2.0**30))
        loc_arg = jnp.min(cand, axis=1, keepdims=True).astype(jnp.int32) \
            + jb * BN
        upd = loc_min < best_d[t]
        best_i[t] = jnp.where(upd, loc_arg, best_i[t])
        best_d[t] = jnp.where(upd, loc_min, best_d[t])
    bf0 = best_d[0].astype(jnp.bfloat16).astype(jnp.float32)
    steal = best_d[1] < bf0
    best_i = jnp.where(steal, best_i[1], best_i[0])
    idx_ref[0] = best_i

    @pl.when(i == 0)
    def _():
        counts_ref[...] = jnp.zeros((1, N_CODES), jnp.float32)

    best_if = best_i.astype(jnp.float32)
    for jb in range(N_CHUNKS):
        cnt = jnp.sum((best_if - jb * BN == colf).astype(jnp.float32),
                      axis=0, keepdims=True)
        counts_ref[:, jb * BN:(jb + 1) * BN] += cnt

    @pl.when(i == N_STEPS - 1)
    def _():
        e_mean = counts_ref[...] * (1.0 / N_TOK)
        ent = jnp.sum(e_mean * jnp.log(e_mean + 1e-10), keepdims=True)
        perp_ref[...] = jnp.exp(-ent)


_vq_call = pl.pallas_call(
    _vq_argmin_body,
    grid=(N_STEPS,),
    in_specs=[
        pl.BlockSpec((BM, DIM), lambda i: (i, 0)),
        pl.BlockSpec((N_CODES, DIM), lambda i: (0, 0)),
    ],
    out_specs=[
        pl.BlockSpec((1, BM, 1), lambda i: (i, 0, 0)),
        pl.BlockSpec((1, N_CODES), lambda i: (0, 0)),
        pl.BlockSpec((1, 1), lambda i: (0, 0)),
    ],
    out_shape=[
        jax.ShapeDtypeStruct((N_STEPS, BM, 1), jnp.int32),
        jax.ShapeDtypeStruct((1, N_CODES), jnp.float32),
        jax.ShapeDtypeStruct((1, 1), jnp.float32),
    ],
    scratch_shapes=[pltpu.VMEM((1, N_CODES), jnp.float32)],
    compiler_params=pltpu.CompilerParams(
        dimension_semantics=("arbitrary",)),
)


@functools.cache
def _make_gather():
    mesh = plsc.VectorSubcoreMesh(core_axis_name="c", subcore_axis_name="s",
                                  num_cores=SC_CORES)

    @functools.partial(
        pl.kernel, mesh=mesh,
        out_type=jax.ShapeDtypeStruct((N_TOK, DIM), jnp.float32),
        scratch_types=[
            pltpu.VMEM((GCH,), jnp.int32),
            pltpu.VMEM((GCH, DIM), jnp.float32),
            pltpu.SemaphoreType.DMA,
        ],
    )
    def gather_k(w_hbm, idx_hbm, out_hbm, idx_v, rows_v, sem):
        wid = lax.axis_index("s") * SC_CORES + lax.axis_index("c")
        base = wid * ROWS_PER_W
        for c in range(ROWS_PER_W // GCH):
            off = base + c * GCH
            pltpu.sync_copy(idx_hbm.at[pl.ds(off, GCH)], idx_v)
            pltpu.async_copy(w_hbm.at[idx_v], rows_v, sem).wait()
            pltpu.sync_copy(rows_v, out_hbm.at[pl.ds(off, GCH)])

    return gather_k


def kernel(z, W):
    idx3, _, perp = _vq_call(z, W)
    idx = idx3.reshape(N_TOK)
    zq = _make_gather()(W, idx)
    z_q = z + lax.stop_gradient(zq - z)
    return (z_q, perp.reshape(()))

# --- scband reference (transcript-rebuilt; emitter-appended) ---
"""Pipeline reference for scband-vector-quantizer-78529182040261 (READ-ONLY COPY).

The authoritative reference and input builder live on the scoring server;
editing this copy changes nothing except your own understanding.
"""

import jax, jax.numpy as jnp
import numpy as np

N_E = 8192
E_DIM = 256

def setup_inputs(seed: int = 0) -> dict:
    key = jax.random.key(seed)
    k1, k2 = jax.random.split(key)
    z = jax.random.normal(k1, (16384, E_DIM), dtype=jnp.float32)
    W = jax.random.normal(k2, (N_E, E_DIM), dtype=jnp.float32) * 0.02
    return {"z": z, "W": W}

def reference(z, W):
    # d[i, j] = ||z_i||^2 + ||e_j||^2 - 2 z_i . e_j
    d = (jnp.sum(z ** 2, axis=1, keepdims=True)
         + jnp.sum(W ** 2, axis=1)
         - 2.0 * jnp.matmul(z, W.T))
    min_encoding_indices = jnp.argmin(d, axis=1)
    n_tok = z.shape[0]
    min_encodings = jnp.zeros((n_tok, N_E), dtype=z.dtype).at[
        jnp.arange(n_tok), min_encoding_indices].set(1.0)
    z_q = jnp.matmul(min_encodings, W).reshape(z.shape)
    # straight-through estimator
    z_q = z + jax.lax.stop_gradient(z_q - z)
    e_mean = jnp.mean(min_encodings, axis=0)
    perplexity = jnp.exp(-jnp.sum(e_mean * jnp.log(e_mean + 1e-10)))
    return (z_q, perplexity)

if __name__ == "__main__":
    import jax
    _d = setup_inputs()
    print(jax.jit(kernel)(*tuple(_d.values())))

</pallas_src>

<mosaic_0001>
#map = affine_map<(d0, d1) -> (0, 0)>
#map1 = affine_map<(d0, d1) -> (0)>
module attributes {stable_mosaic.version = 14 : i64} {
  func.func @gather_k(%arg0: i32, %arg1: i32, %arg2: memref<8192x256xf32, #tpu.memory_space<hbm>>, %arg3: memref<16384xi32, #tpu.memory_space<hbm>>, %arg4: memref<16384x256xf32, #tpu.memory_space<hbm>>, %arg5: memref<128xi32, #tpu.memory_space<vmem>>, %arg6: memref<128x256xf32, #tpu.memory_space<vmem>>, %arg7: memref<!tpu.dma_semaphore, #tpu.memory_space<semaphore_mem>>) attributes {dimension_semantics = [#tpu.dimension_semantics<core_parallel>, #tpu.dimension_semantics<subcore_parallel>], iteration_bounds = array<i64: 2, 16>, scalar_prefetch = 0 : i64, scratch_operands = 3 : i64, tpu.core_type = #tpu.core_type<sc_vector_subcore>, window_params = [{transform_indices = #map}, {transform_indices = #map1}, {transform_indices = #map}]} {
    %mul3A = arith.constant 2 : i32
    %mul3A_0 = arith.muli %arg1, %mul3A : i32
    %add3A = arith.addi %mul3A_0, %arg0 : i32
    %mul3A_1 = arith.constant 512 : i32
    %mul3A_2 = arith.muli %add3A, %mul3A_1 : i32
    %add3A_3 = arith.constant 0 : i32
    %add3A_4 = arith.addi %mul3A_2, %add3A_3 : i32
    "tpu.region"() ({
      %run_scoped3A = tpu.sem_alloc : memref<!tpu.dma_semaphore, #tpu.memory_space<semaphore_mem>>
      %dma_start3A_33 = tpu.memref_slice %arg3[%add3A_4] : memref<16384xi32, #tpu.memory_space<hbm>> -> memref<128xi32, #tpu.memory_space<hbm>>
      %dma_start3A_34 = tpu.memref_slice %arg3[%add3A_4] : memref<16384xi32, #tpu.memory_space<hbm>> -> memref<128xi32, #tpu.memory_space<hbm>>
      tpu.enqueue_dma source(%dma_start3A_34 : memref<128xi32, #tpu.memory_space<hbm>>) target(%arg5 : memref<128xi32, #tpu.memory_space<vmem>>) target_semaphore(%run_scoped3A : memref<!tpu.dma_semaphore, #tpu.memory_space<semaphore_mem>>)
      %dma_wait3A_35 = tpu.memref_slice %arg3[%add3A_4] : memref<16384xi32, #tpu.memory_space<hbm>> -> memref<128xi32, #tpu.memory_space<hbm>>
      %dma_wait3A_36 = tpu.memref_slice %arg3[%add3A_4] : memref<16384xi32, #tpu.memory_space<hbm>> -> memref<128xi32, #tpu.memory_space<hbm>>
      tpu.wait_dma2 semaphore(%run_scoped3A : memref<!tpu.dma_semaphore, #tpu.memory_space<semaphore_mem>>) src(%dma_wait3A_36 : memref<128xi32, #tpu.memory_space<hbm>>) dst(%arg5 : memref<128xi32, #tpu.memory_space<vmem>>)
      tpu.yield
    }) : () -> ()
    %dma_start3A = arith.constant 0 : i32
    %dma_start3A_5 = arith.constant 0 : i32
    %dma_start3A_6 = tpu.memref_slice %arg2[%dma_start3A, %dma_start3A_5] : memref<8192x256xf32, #tpu.memory_space<hbm>> -> memref<8192x256xf32, #tpu.memory_space<hbm>>
    tpu.enqueue_indirect_dma source(%dma_start3A_6 : memref<8192x256xf32, #tpu.memory_space<hbm>>) target(%arg6 : memref<128x256xf32, #tpu.memory_space<vmem>>) offsets(%arg5 : memref<128xi32, #tpu.memory_space<vmem>>) semaphore(%arg7 : memref<!tpu.dma_semaphore, #tpu.memory_space<semaphore_mem>>)
    %dma_wait3A = arith.constant 0 : i32
    %dma_wait3A_7 = arith.constant 0 : i32
    %dma_wait3A_8 = tpu.memref_slice %arg2[%dma_wait3A, %dma_wait3A_7] : memref<8192x256xf32, #tpu.memory_space<hbm>> -> memref<8192x256xf32, #tpu.memory_space<hbm>>
    tpu.wait_indirect_dma semaphore(%arg7 : memref<!tpu.dma_semaphore, #tpu.memory_space<semaphore_mem>>) src(%dma_wait3A_8 : memref<8192x256xf32, #tpu.memory_space<hbm>>) dst(%arg6 : memref<128x256xf32, #tpu.memory_space<vmem>>)
    "tpu.region"() ({
      %run_scoped3A = tpu.sem_alloc : memref<!tpu.dma_semaphore, #tpu.memory_space<semaphore_mem>>
      %dma_start3A_33 = arith.constant 0 : i32
      %dma_start3A_34 = tpu.memref_slice %arg4[%add3A_4, %dma_start3A_33] : memref<16384x256xf32, #tpu.memory_space<hbm>> -> memref<128x256xf32, #tpu.memory_space<hbm>>
      %dma_start3A_35 = arith.constant 0 : i32
      %dma_start3A_36 = tpu.memref_slice %arg4[%add3A_4, %dma_start3A_35] : memref<16384x256xf32, #tpu.memory_space<hbm>> -> memref<128x256xf32, #tpu.memory_space<hbm>>
      tpu.enqueue_dma source(%arg6 : memref<128x256xf32, #tpu.memory_space<vmem>>) target(%dma_start3A_36 : memref<128x256xf32, #tpu.memory_space<hbm>>) target_semaphore(%run_scoped3A : memref<!tpu.dma_semaphore, #tpu.memory_space<semaphore_mem>>)
      %dma_wait3A_37 = arith.constant 0 : i32
      %dma_wait3A_38 = tpu.memref_slice %arg4[%add3A_4, %dma_wait3A_37] : memref<16384x256xf32, #tpu.memory_space<hbm>> -> memref<128x256xf32, #tpu.memory_space<hbm>>
      %dma_wait3A_39 = arith.constant 0 : i32
      %dma_wait3A_40 = tpu.memref_slice %arg4[%add3A_4, %dma_wait3A_39] : memref<16384x256xf32, #tpu.memory_space<hbm>> -> memref<128x256xf32, #tpu.memory_space<hbm>>
      tpu.wait_dma2 semaphore(%run_scoped3A : memref<!tpu.dma_semaphore, #tpu.memory_space<semaphore_mem>>) src(%arg6 : memref<128x256xf32, #tpu.memory_space<vmem>>) dst(%dma_wait3A_40 : memref<128x256xf32, #tpu.memory_space<hbm>>)
      tpu.yield
    }) : () -> ()
    %add3A_9 = arith.constant 128 : i32
    %add3A_10 = arith.addi %mul3A_2, %add3A_9 : i32
    "tpu.region"() ({
      %run_scoped3A = tpu.sem_alloc : memref<!tpu.dma_semaphore, #tpu.memory_space<semaphore_mem>>
      %dma_start3A_33 = tpu.memref_slice %arg3[%add3A_10] : memref<16384xi32, #tpu.memory_space<hbm>> -> memref<128xi32, #tpu.memory_space<hbm>>
      %dma_start3A_34 = tpu.memref_slice %arg3[%add3A_10] : memref<16384xi32, #tpu.memory_space<hbm>> -> memref<128xi32, #tpu.memory_space<hbm>>
      tpu.enqueue_dma source(%dma_start3A_34 : memref<128xi32, #tpu.memory_space<hbm>>) target(%arg5 : memref<128xi32, #tpu.memory_space<vmem>>) target_semaphore(%run_scoped3A : memref<!tpu.dma_semaphore, #tpu.memory_space<semaphore_mem>>)
      %dma_wait3A_35 = tpu.memref_slice %arg3[%add3A_10] : memref<16384xi32, #tpu.memory_space<hbm>> -> memref<128xi32, #tpu.memory_space<hbm>>
      %dma_wait3A_36 = tpu.memref_slice %arg3[%add3A_10] : memref<16384xi32, #tpu.memory_space<hbm>> -> memref<128xi32, #tpu.memory_space<hbm>>
      tpu.wait_dma2 semaphore(%run_scoped3A : memref<!tpu.dma_semaphore, #tpu.memory_space<semaphore_mem>>) src(%dma_wait3A_36 : memref<128xi32, #tpu.memory_space<hbm>>) dst(%arg5 : memref<128xi32, #tpu.memory_space<vmem>>)
      tpu.yield
    }) : () -> ()
    %dma_start3A_11 = arith.constant 0 : i32
    %dma_start3A_12 = arith.constant 0 : i32
    %dma_start3A_13 = tpu.memref_slice %arg2[%dma_start3A_11, %dma_start3A_12] : memref<8192x256xf32, #tpu.memory_space<hbm>> -> memref<8192x256xf32, #tpu.memory_space<hbm>>
    tpu.enqueue_indirect_dma source(%dma_start3A_13 : memref<8192x256xf32, #tpu.memory_space<hbm>>) target(%arg6 : memref<128x256xf32, #tpu.memory_space<vmem>>) offsets(%arg5 : memref<128xi32, #tpu.memory_space<vmem>>) semaphore(%arg7 : memref<!tpu.dma_semaphore, #tpu.memory_space<semaphore_mem>>)
    %dma_wait3A_14 = arith.constant 0 : i32
    %dma_wait3A_15 = arith.constant 0 : i32
    %dma_wait3A_16 = tpu.memref_slice %arg2[%dma_wait3A_14, %dma_wait3A_15] : memref<8192x256xf32, #tpu.memory_space<hbm>> -> memref<8192x256xf32, #tpu.memory_space<hbm>>
    tpu.wait_indirect_dma semaphore(%arg7 : memref<!tpu.dma_semaphore, #tpu.memory_space<semaphore_mem>>) src(%dma_wait3A_16 : memref<8192x256xf32, #tpu.memory_space<hbm>>) dst(%arg6 : memref<128x256xf32, #tpu.memory_space<vmem>>)
    "tpu.region"() ({
      %run_scoped3A = tpu.sem_alloc : memref<!tpu.dma_semaphore, #tpu.memory_space<semaphore_mem>>
      %dma_start3A_33 = arith.constant 0 : i32
      %dma_start3A_34 = tpu.memref_slice %arg4[%add3A_10, %dma_start3A_33] : memref<16384x256xf32, #tpu.memory_space<hbm>> -> memref<128x256xf32, #tpu.memory_space<hbm>>
      %dma_start3A_35 = arith.constant 0 : i32
      %dma_start3A_36 = tpu.memref_slice %arg4[%add3A_10, %dma_start3A_35] : memref<16384x256xf32, #tpu.memory_space<hbm>> -> memref<128x256xf32, #tpu.memory_space<hbm>>
      tpu.enqueue_dma source(%arg6 : memref<128x256xf32, #tpu.memory_space<vmem>>) target(%dma_start3A_36 : memref<128x256xf32, #tpu.memory_space<hbm>>) target_semaphore(%run_scoped3A : memref<!tpu.dma_semaphore, #tpu.memory_space<semaphore_mem>>)
      %dma_wait3A_37 = arith.constant 0 : i32
      %dma_wait3A_38 = tpu.memref_slice %arg4[%add3A_10, %dma_wait3A_37] : memref<16384x256xf32, #tpu.memory_space<hbm>> -> memref<128x256xf32, #tpu.memory_space<hbm>>
      %dma_wait3A_39 = arith.constant 0 : i32
      %dma_wait3A_40 = tpu.memref_slice %arg4[%add3A_10, %dma_wait3A_39] : memref<16384x256xf32, #tpu.memory_space<hbm>> -> memref<128x256xf32, #tpu.memory_space<hbm>>
      tpu.wait_dma2 semaphore(%run_scoped3A : memref<!tpu.dma_semaphore, #tpu.memory_space<semaphore_mem>>) src(%arg6 : memref<128x256xf32, #tpu.memory_space<vmem>>) dst(%dma_wait3A_40 : memref<128x256xf32, #tpu.memory_space<hbm>>)
      tpu.yield
    }) : () -> ()
    %add3A_17 = arith.constant 256 : i32
    %add3A_18 = arith.addi %mul3A_2, %add3A_17 : i32
    "tpu.region"() ({
      %run_scoped3A = tpu.sem_alloc : memref<!tpu.dma_semaphore, #tpu.memory_space<semaphore_mem>>
      %dma_start3A_33 = tpu.memref_slice %arg3[%add3A_18] : memref<16384xi32, #tpu.memory_space<hbm>> -> memref<128xi32, #tpu.memory_space<hbm>>
      %dma_start3A_34 = tpu.memref_slice %arg3[%add3A_18] : memref<16384xi32, #tpu.memory_space<hbm>> -> memref<128xi32, #tpu.memory_space<hbm>>
      tpu.enqueue_dma source(%dma_start3A_34 : memref<128xi32, #tpu.memory_space<hbm>>) target(%arg5 : memref<128xi32, #tpu.memory_space<vmem>>) target_semaphore(%run_scoped3A : memref<!tpu.dma_semaphore, #tpu.memory_space<semaphore_mem>>)
      %dma_wait3A_35 = tpu.memref_slice %arg3[%add3A_18] : memref<16384xi32, #tpu.memory_space<hbm>> -> memref<128xi32, #tpu.memory_space<hbm>>
      %dma_wait3A_36 = tpu.memref_slice %arg3[%add3A_18] : memref<16384xi32, #tpu.memory_space<hbm>> -> memref<128xi32, #tpu.memory_space<hbm>>
      tpu.wait_dma2 semaphore(%run_scoped3A : memref<!tpu.dma_semaphore, #tpu.memory_space<semaphore_mem>>) src(%dma_wait3A_36 : memref<128xi32, #tpu.memory_space<hbm>>) dst(%arg5 : memref<128xi32, #tpu.memory_space<vmem>>)
      tpu.yield
    }) : () -> ()
    %dma_start3A_19 = arith.constant 0 : i32
    %dma_start3A_20 = arith.constant 0 : i32
    %dma_start3A_21 = tpu.memref_slice %arg2[%dma_start3A_19, %dma_start3A_20] : memref<8192x256xf32, #tpu.memory_space<hbm>> -> memref<8192x256xf32, #tpu.memory_space<hbm>>
    tpu.enqueue_indirect_dma source(%dma_start3A_21 : memref<8192x256xf32, #tpu.memory_space<hbm>>) target(%arg6 : memref<128x256xf32, #tpu.memory_space<vmem>>) offsets(%arg5 : memref<128xi32, #tpu.memory_space<vmem>>) semaphore(%arg7 : memref<!tpu.dma_semaphore, #tpu.memory_space<semaphore_mem>>)
    %dma_wait3A_22 = arith.constant 0 : i32
    %dma_wait3A_23 = arith.constant 0 : i32
    %dma_wait3A_24 = tpu.memref_slice %arg2[%dma_wait3A_22, %dma_wait3A_23] : memref<8192x256xf32, #tpu.memory_space<hbm>> -> memref<8192x256xf32, #tpu.memory_space<hbm>>
    tpu.wait_indirect_dma semaphore(%arg7 : memref<!tpu.dma_semaphore, #tpu.memory_space<semaphore_mem>>) src(%dma_wait3A_24 : memref<8192x256xf32, #tpu.memory_space<hbm>>) dst(%arg6 : memref<128x256xf32, #tpu.memory_space<vmem>>)
    "tpu.region"() ({
      %run_scoped3A = tpu.sem_alloc : memref<!tpu.dma_semaphore, #tpu.memory_space<semaphore_mem>>
      %dma_start3A_33 = arith.constant 0 : i32
      %dma_start3A_34 = tpu.memref_slice %arg4[%add3A_18, %dma_start3A_33] : memref<16384x256xf32, #tpu.memory_space<hbm>> -> memref<128x256xf32, #tpu.memory_space<hbm>>
      %dma_start3A_35 = arith.constant 0 : i32
      %dma_start3A_36 = tpu.memref_slice %arg4[%add3A_18, %dma_start3A_35] : memref<16384x256xf32, #tpu.memory_space<hbm>> -> memref<128x256xf32, #tpu.memory_space<hbm>>
      tpu.enqueue_dma source(%arg6 : memref<128x256xf32, #tpu.memory_space<vmem>>) target(%dma_start3A_36 : memref<128x256xf32, #tpu.memory_space<hbm>>) target_semaphore(%run_scoped3A : memref<!tpu.dma_semaphore, #tpu.memory_space<semaphore_mem>>)
      %dma_wait3A_37 = arith.constant 0 : i32
      %dma_wait3A_38 = tpu.memref_slice %arg4[%add3A_18, %dma_wait3A_37] : memref<16384x256xf32, #tpu.memory_space<hbm>> -> memref<128x256xf32, #tpu.memory_space<hbm>>
      %dma_wait3A_39 = arith.constant 0 : i32
      %dma_wait3A_40 = tpu.memref_slice %arg4[%add3A_18, %dma_wait3A_39] : memref<16384x256xf32, #tpu.memory_space<hbm>> -> memref<128x256xf32, #tpu.memory_space<hbm>>
      tpu.wait_dma2 semaphore(%run_scoped3A : memref<!tpu.dma_semaphore, #tpu.memory_space<semaphore_mem>>) src(%arg6 : memref<128x256xf32, #tpu.memory_space<vmem>>) dst(%dma_wait3A_40 : memref<128x256xf32, #tpu.memory_space<hbm>>)
      tpu.yield
    }) : () -> ()
    %add3A_25 = arith.constant 384 : i32
    %add3A_26 = arith.addi %mul3A_2, %add3A_25 : i32
    "tpu.region"() ({
      %run_scoped3A = tpu.sem_alloc : memref<!tpu.dma_semaphore, #tpu.memory_space<semaphore_mem>>
      %dma_start3A_33 = tpu.memref_slice %arg3[%add3A_26] : memref<16384xi32, #tpu.memory_space<hbm>> -> memref<128xi32, #tpu.memory_space<hbm>>
      %dma_start3A_34 = tpu.memref_slice %arg3[%add3A_26] : memref<16384xi32, #tpu.memory_space<hbm>> -> memref<128xi32, #tpu.memory_space<hbm>>
      tpu.enqueue_dma source(%dma_start3A_34 : memref<128xi32, #tpu.memory_space<hbm>>) target(%arg5 : memref<128xi32, #tpu.memory_space<vmem>>) target_semaphore(%run_scoped3A : memref<!tpu.dma_semaphore, #tpu.memory_space<semaphore_mem>>)
      %dma_wait3A_35 = tpu.memref_slice %arg3[%add3A_26] : memref<16384xi32, #tpu.memory_space<hbm>> -> memref<128xi32, #tpu.memory_space<hbm>>
      %dma_wait3A_36 = tpu.memref_slice %arg3[%add3A_26] : memref<16384xi32, #tpu.memory_space<hbm>> -> memref<128xi32, #tpu.memory_space<hbm>>
      tpu.wait_dma2 semaphore(%run_scoped3A : memref<!tpu.dma_semaphore, #tpu.memory_space<semaphore_mem>>) src(%dma_wait3A_36 : memref<128xi32, #tpu.memory_space<hbm>>) dst(%arg5 : memref<128xi32, #tpu.memory_space<vmem>>)
      tpu.yield
    }) : () -> ()
    %dma_start3A_27 = arith.constant 0 : i32
    %dma_start3A_28 = arith.constant 0 : i32
    %dma_start3A_29 = tpu.memref_slice %arg2[%dma_start3A_27, %dma_start3A_28] : memref<8192x256xf32, #tpu.memory_space<hbm>> -> memref<8192x256xf32, #tpu.memory_space<hbm>>
    tpu.enqueue_indirect_dma source(%dma_start3A_29 : memref<8192x256xf32, #tpu.memory_space<hbm>>) target(%arg6 : memref<128x256xf32, #tpu.memory_space<vmem>>) offsets(%arg5 : memref<128xi32, #tpu.memory_space<vmem>>) semaphore(%arg7 : memref<!tpu.dma_semaphore, #tpu.memory_space<semaphore_mem>>)
    %dma_wait3A_30 = arith.constant 0 : i32
    %dma_wait3A_31 = arith.constant 0 : i32
    %dma_wait3A_32 = tpu.memref_slice %arg2[%dma_wait3A_30, %dma_wait3A_31] : memref<8192x256xf32, #tpu.memory_space<hbm>> -> memref<8192x256xf32, #tpu.memory_space<hbm>>
    tpu.wait_indirect_dma semaphore(%arg7 : memref<!tpu.dma_semaphore, #tpu.memory_space<semaphore_mem>>) src(%dma_wait3A_32 : memref<8192x256xf32, #tpu.memory_space<hbm>>) dst(%arg6 : memref<128x256xf32, #tpu.memory_space<vmem>>)
    "tpu.region"() ({
      %run_scoped3A = tpu.sem_alloc : memref<!tpu.dma_semaphore, #tpu.memory_space<semaphore_mem>>
      %dma_start3A_33 = arith.constant 0 : i32
      %dma_start3A_34 = tpu.memref_slice %arg4[%add3A_26, %dma_start3A_33] : memref<16384x256xf32, #tpu.memory_space<hbm>> -> memref<128x256xf32, #tpu.memory_space<hbm>>
      %dma_start3A_35 = arith.constant 0 : i32
      %dma_start3A_36 = tpu.memref_slice %arg4[%add3A_26, %dma_start3A_35] : memref<16384x256xf32, #tpu.memory_space<hbm>> -> memref<128x256xf32, #tpu.memory_space<hbm>>
      tpu.enqueue_dma source(%arg6 : memref<128x256xf32, #tpu.memory_space<vmem>>) target(%dma_start3A_36 : memref<128x256xf32, #tpu.memory_space<hbm>>) target_semaphore(%run_scoped3A : memref<!tpu.dma_semaphore, #tpu.memory_space<semaphore_mem>>)
      %dma_wait3A_37 = arith.constant 0 : i32
      %dma_wait3A_38 = tpu.memref_slice %arg4[%add3A_26, %dma_wait3A_37] : memref<16384x256xf32, #tpu.memory_space<hbm>> -> memref<128x256xf32, #tpu.memory_space<hbm>>
      %dma_wait3A_39 = arith.constant 0 : i32
      %dma_wait3A_40 = tpu.memref_slice %arg4[%add3A_26, %dma_wait3A_39] : memref<16384x256xf32, #tpu.memory_space<hbm>> -> memref<128x256xf32, #tpu.memory_space<hbm>>
      tpu.wait_dma2 semaphore(%run_scoped3A : memref<!tpu.dma_semaphore, #tpu.memory_space<semaphore_mem>>) src(%arg6 : memref<128x256xf32, #tpu.memory_space<vmem>>) dst(%dma_wait3A_40 : memref<128x256xf32, #tpu.memory_space<hbm>>)
      tpu.yield
    }) : () -> ()
    return
  }
}

module attributes {stable_mosaic.version = 14 : i64} {
  func.func @_vq_argmin_body(%arg0: i32, %arg1: memref<512x256xf32, #tpu.memory_space<vmem>>, %arg2: memref<8192x256xf32, #tpu.memory_space<vmem>>, %arg3: memref<1x512x1xi32, #tpu.memory_space<vmem>>, %arg4: memref<1x8192xf32, #tpu.memory_space<vmem>>, %arg5: memref<1x1xf32, #tpu.memory_space<vmem>>, %arg6: memref<1x8192xf32, #tpu.memory_space<vmem>>) attributes {dimension_semantics = [#tpu.dimension_semantics<arbitrary>], iteration_bounds = array<i64: 32>, scalar_prefetch = 0 : i64, scratch_operands = 1 : i64, tpu.core_type = #tpu.core_type<tc>, window_params = [{transform_indices = @transform_0, window_bounds = array<i64: 512, 256>}, {pipeline_mode = #tpu.pipeline_mode<synchronous>, transform_indices = @transform_1, window_bounds = array<i64: 8192, 256>}, {transform_indices = @transform_2, window_bounds = array<i64: 1, 512, 1>}, {pipeline_mode = #tpu.pipeline_mode<synchronous>, transform_indices = @transform_3, window_bounds = array<i64: 1, 8192>}, {pipeline_mode = #tpu.pipeline_mode<synchronous>, transform_indices = @transform_4, window_bounds = array<i64: 1, 1>}]} {
    %eq3A = arith.constant 0 : i32
    %eq3A_0 = arith.cmpi eq, %arg0, %eq3A : i32
    %convert_element_type3A = arith.extui %eq3A_0 : i1 to i32
    %cond3A = arith.constant 0 : i32
    %cond3A_1 = arith.cmpi ne, %convert_element_type3A, %cond3A : i32
    scf.if %cond3A_1 {
      %get3A_427 = arith.constant 0 : index
      %get3A_428 = arith.constant 0 : index
      %get3A_429 = vector.load %arg2[%get3A_427, %get3A_428] : memref<8192x256xf32, #tpu.memory_space<vmem>>, vector<1024x256xf32>
      %mul3A_430 = arith.mulf %get3A_429, %get3A_429 : vector<1024x256xf32>
      %reduce_sum3A_431 = arith.constant dense<0.000000e+00> : vector<1024xf32>
      %reduce_sum3A_432 = vector.multi_reduction <add>, %mul3A_430, %reduce_sum3A_431 [1] : vector<1024x256xf32> to vector<1024xf32>
      %swap3A_433 = arith.constant 0 : index
      %swap3A_434 = arith.constant 0 : index
      %swap3A_435 = vector.load %arg6[%swap3A_433, %swap3A_434] : memref<1x8192xf32, #tpu.memory_space<vmem>>, vector<1x1024xf32>
      %swap3A_436 = vector.shape_cast %swap3A_435 : vector<1x1024xf32> to vector<1024xf32>
      %swap3A_437 = vector.shape_cast %reduce_sum3A_432 : vector<1024xf32> to vector<1x1024xf32>
      tpu.vector_store %arg6[%swap3A_433, %swap3A_434], %swap3A_437 {strides = array<i32>} : memref<1x8192xf32, #tpu.memory_space<vmem>>, vector<1x1024xf32>,
      %get3A_438 = arith.constant 1024 : index
      %get3A_439 = arith.constant 0 : index
      %get3A_440 = vector.load %arg2[%get3A_438, %get3A_439] : memref<8192x256xf32, #tpu.memory_space<vmem>>, vector<1024x256xf32>
      %mul3A_441 = arith.mulf %get3A_440, %get3A_440 : vector<1024x256xf32>
      %reduce_sum3A_442 = arith.constant dense<0.000000e+00> : vector<1024xf32>
      %reduce_sum3A_443 = vector.multi_reduction <add>, %mul3A_441, %reduce_sum3A_442 [1] : vector<1024x256xf32> to vector<1024xf32>
      %swap3A_444 = arith.constant 0 : index
      %swap3A_445 = arith.constant 1024 : index
      %swap3A_446 = vector.load %arg6[%swap3A_444, %swap3A_445] : memref<1x8192xf32, #tpu.memory_space<vmem>>, vector<1x1024xf32>
      %swap3A_447 = vector.shape_cast %swap3A_446 : vector<1x1024xf32> to vector<1024xf32>
      %swap3A_448 = vector.shape_cast %reduce_sum3A_443 : vector<1024xf32> to vector<1x1024xf32>
      tpu.vector_store %arg6[%swap3A_444, %swap3A_445], %swap3A_448 {strides = array<i32>} : memref<1x8192xf32, #tpu.memory_space<vmem>>, vector<1x1024xf32>,
      %get3A_449 = arith.constant 2048 : index
      %get3A_450 = arith.constant 0 : index
      %get3A_451 = vector.load %arg2[%get3A_449, %get3A_450] : memref<8192x256xf32, #tpu.memory_space<vmem>>, vector<1024x256xf32>
      %mul3A_452 = arith.mulf %get3A_451, %get3A_451 : vector<1024x256xf32>
      %reduce_sum3A_453 = arith.constant dense<0.000000e+00> : vector<1024xf32>
      %reduce_sum3A_454 = vector.multi_reduction <add>, %mul3A_452, %reduce_sum3A_453 [1] : vector<1024x256xf32> to vector<1024xf32>
      %swap3A_455 = arith.constant 0 : index
      %swap3A_456 = arith.constant 2048 : index
      %swap3A_457 = vector.load %arg6[%swap3A_455, %swap3A_456] : memref<1x8192xf32, #tpu.memory_space<vmem>>, vector<1x1024xf32>
      %swap3A_458 = vector.shape_cast %swap3A_457 : vector<1x1024xf32> to vector<1024xf32>
      %swap3A_459 = vector.shape_cast %reduce_sum3A_454 : vector<1024xf32> to vector<1x1024xf32>
      tpu.vector_store %arg6[%swap3A_455, %swap3A_456], %swap3A_459 {strides = array<i32>} : memref<1x8192xf32, #tpu.memory_space<vmem>>, vector<1x1024xf32>,
      %get3A_460 = arith.constant 3072 : index
      %get3A_461 = arith.constant 0 : index
      %get3A_462 = vector.load %arg2[%get3A_460, %get3A_461] : memref<8192x256xf32, #tpu.memory_space<vmem>>, vector<1024x256xf32>
      %mul3A_463 = arith.mulf %get3A_462, %get3A_462 : vector<1024x256xf32>
      %reduce_sum3A_464 = arith.constant dense<0.000000e+00> : vector<1024xf32>
      %reduce_sum3A_465 = vector.multi_reduction <add>, %mul3A_463, %reduce_sum3A_464 [1] : vector<1024x256xf32> to vector<1024xf32>
      %swap3A_466 = arith.constant 0 : index
      %swap3A_467 = arith.constant 3072 : index
      %swap3A_468 = vector.load %arg6[%swap3A_466, %swap3A_467] : memref<1x8192xf32, #tpu.memory_space<vmem>>, vector<1x1024xf32>
      %swap3A_469 = vector.shape_cast %swap3A_468 : vector<1x1024xf32> to vector<1024xf32>
      %swap3A_470 = vector.shape_cast %reduce_sum3A_465 : vector<1024xf32> to vector<1x1024xf32>
      tpu.vector_store %arg6[%swap3A_466, %swap3A_467], %swap3A_470 {strides = array<i32>} : memref<1x8192xf32, #tpu.memory_space<vmem>>, vector<1x1024xf32>,
      %get3A_471 = arith.constant 4096 : index
      %get3A_472 = arith.constant 0 : index
      %get3A_473 = vector.load %arg2[%get3A_471, %get3A_472] : memref<8192x256xf32, #tpu.memory_space<vmem>>, vector<1024x256xf32>
      %mul3A_474 = arith.mulf %get3A_473, %get3A_473 : vector<1024x256xf32>
      %reduce_sum3A_475 = arith.constant dense<0.000000e+00> : vector<1024xf32>
      %reduce_sum3A_476 = vector.multi_reduction <add>, %mul3A_474, %reduce_sum3A_475 [1] : vector<1024x256xf32> to vector<1024xf32>
      %swap3A_477 = arith.constant 0 : index
      %swap3A_478 = arith.constant 4096 : index
      %swap3A_479 = vector.load %arg6[%swap3A_477, %swap3A_478] : memref<1x8192xf32, #tpu.memory_space<vmem>>, vector<1x1024xf32>
      %swap3A_480 = vector.shape_cast %swap3A_479 : vector<1x1024xf32> to vector<1024xf32>
      %swap3A_481 = vector.shape_cast %reduce_sum3A_476 : vector<1024xf32> to vector<1x1024xf32>
      tpu.vector_store %arg6[%swap3A_477, %swap3A_478], %swap3A_481 {strides = array<i32>} : memref<1x8192xf32, #tpu.memory_space<vmem>>, vector<1x1024xf32>,
      %get3A_482 = arith.constant 5120 : index
      %get3A_483 = arith.constant 0 : index
      %get3A_484 = vector.load %arg2[%get3A_482, %get3A_483] : memref<8192x256xf32, #tpu.memory_space<vmem>>, vector<1024x256xf32>
      %mul3A_485 = arith.mulf %get3A_484, %get3A_484 : vector<1024x256xf32>
      %reduce_sum3A_486 = arith.constant dense<0.000000e+00> : vector<1024xf32>
      %reduce_sum3A_487 = vector.multi_reduction <add>, %mul3A_485, %reduce_sum3A_486 [1] : vector<1024x256xf32> to vector<1024xf32>
      %swap3A_488 = arith.constant 0 : index
      %swap3A_489 = arith.constant 5120 : index
      %swap3A_490 = vector.load %arg6[%swap3A_488, %swap3A_489] : memref<1x8192xf32, #tpu.memory_space<vmem>>, vector<1x1024xf32>
      %swap3A_491 = vector.shape_cast %swap3A_490 : vector<1x1024xf32> to vector<1024xf32>
      %swap3A_492 = vector.shape_cast %reduce_sum3A_487 : vector<1024xf32> to vector<1x1024xf32>
      tpu.vector_store %arg6[%swap3A_488, %swap3A_489], %swap3A_492 {strides = array<i32>} : memref<1x8192xf32, #tpu.memory_space<vmem>>, vector<1x1024xf32>,
      %get3A_493 = arith.constant 6144 : index
      %get3A_494 = arith.constant 0 : index
      %get3A_495 = vector.load %arg2[%get3A_493, %get3A_494] : memref<8192x256xf32, #tpu.memory_space<vmem>>, vector<1024x256xf32>
      %mul3A_496 = arith.mulf %get3A_495, %get3A_495 : vector<1024x256xf32>
      %reduce_sum3A_497 = arith.constant dense<0.000000e+00> : vector<1024xf32>
      %reduce_sum3A_498 = vector.multi_reduction <add>, %mul3A_496, %reduce_sum3A_497 [1] : vector<1024x256xf32> to vector<1024xf32>
      %swap3A_499 = arith.constant 0 : index
      %swap3A_500 = arith.constant 6144 : index
      %swap3A_501 = vector.load %arg6[%swap3A_499, %swap3A_500] : memref<1x8192xf32, #tpu.memory_space<vmem>>, vector<1x1024xf32>
      %swap3A_502 = vector.shape_cast %swap3A_501 : vector<1x1024xf32> to vector<1024xf32>
      %swap3A_503 = vector.shape_cast %reduce_sum3A_498 : vector<1024xf32> to vector<1x1024xf32>
      tpu.vector_store %arg6[%swap3A_499, %swap3A_500], %swap3A_503 {strides = array<i32>} : memref<1x8192xf32, #tpu.memory_space<vmem>>, vector<1x1024xf32>,
      %get3A_504 = arith.constant 7168 : index
      %get3A_505 = arith.constant 0 : index
      %get3A_506 = vector.load %arg2[%get3A_504, %get3A_505] : memref<8192x256xf32, #tpu.memory_space<vmem>>, vector<1024x256xf32>
      %mul3A_507 = arith.mulf %get3A_506, %get3A_506 : vector<1024x256xf32>
      %reduce_sum3A_508 = arith.constant dense<0.000000e+00> : vector<1024xf32>
      %reduce_sum3A_509 = vector.multi_reduction <add>, %mul3A_507, %reduce_sum3A_508 [1] : vector<1024x256xf32> to vector<1024xf32>
      %swap3A_510 = arith.constant 0 : index
      %swap3A_511 = arith.constant 7168 : index
      %swap3A_512 = vector.load %arg6[%swap3A_510, %swap3A_511] : memref<1x8192xf32, #tpu.memory_space<vmem>>, vector<1x1024xf32>
      %swap3A_513 = vector.shape_cast %swap3A_512 : vector<1x1024xf32> to vector<1024xf32>
      %swap3A_514 = vector.shape_cast %reduce_sum3A_509 : vector<1024xf32> to vector<1x1024xf32>
      tpu.vector_store %arg6[%swap3A_510, %swap3A_511], %swap3A_514 {strides = array<i32>} : memref<1x8192xf32, #tpu.memory_space<vmem>>, vector<1x1024xf32>,
    } else {
    }
    %get3A = arith.constant 0 : index
    %get3A_2 = arith.constant 0 : index
    %get3A_3 = vector.load %arg1[%get3A, %get3A_2] : memref<512x256xf32, #tpu.memory_space<vmem>>, vector<512x256xf32>
    %mul3A = arith.mulf %get3A_3, %get3A_3 : vector<512x256xf32>
    %reduce_sum3A = arith.constant dense<0.000000e+00> : vector<512xf32>
    %reduce_sum3A_4 = vector.multi_reduction <add>, %mul3A, %reduce_sum3A [1] : vector<512x256xf32> to vector<512xf32>
    %broadcast_in_dim3A = vector.shape_cast %reduce_sum3A_4 : vector<512xf32> to vector<512x1xf32>
    %broadcast_in_dim3A_5 = arith.constant 0x7F800000 : f32
    %broadcast_in_dim3A_6 = vector.broadcast %broadcast_in_dim3A_5 : f32 to vector<512x1xf32>
    %broadcast_in_dim3A_7 = arith.constant 0x7F800000 : f32
    %broadcast_in_dim3A_8 = vector.broadcast %broadcast_in_dim3A_7 : f32 to vector<512x1xf32>
    %broadcast_in_dim3A_9 = arith.constant 0 : i32
    %broadcast_in_dim3A_10 = vector.broadcast %broadcast_in_dim3A_9 : i32 to vector<512x1xi32>
    %broadcast_in_dim3A_11 = arith.constant 0 : i32
    %broadcast_in_dim3A_12 = vector.broadcast %broadcast_in_dim3A_11 : i32 to vector<512x1xi32>
    %iota3A = tpu.iota {dimensions = array<i32: 1>} : vector<512x1024xi32>
    %convert_element_type3A_13 = arith.sitofp %iota3A : vector<512x1024xi32> to vector<512x1024xf32>
    %get3A_14 = arith.constant 0 : index
    %get3A_15 = arith.constant 0 : index
    %get3A_16 = vector.load %arg2[%get3A_14, %get3A_15] : memref<8192x256xf32, #tpu.memory_space<vmem>>, vector<1024x256xf32>
    %get3A_17 = arith.constant 0 : index
    %get3A_18 = arith.constant 0 : index
    %get3A_19 = vector.load %arg6[%get3A_17, %get3A_18] : memref<1x8192xf32, #tpu.memory_space<vmem>>, vector<1x1024xf32>
    %dot_general3A = arith.constant dense<0.000000e+00> : vector<512x1024xf32>
    %dot_general3A_20 = tpu.matmul %get3A_3, %get3A_16, %dot_general3A {dimension_numbers = #tpu.dot_dimension_numbers<[1], [1], [0], [0], [0, 0, 1, 0], [], []>, transpose_lhs_hint = false} : vector<512x256xf32>, vector<1024x256xf32>, vector<512x1024xf32> -> vector<512x1024xf32>
    %add3A = vector.broadcast %broadcast_in_dim3A : vector<512x1xf32> to vector<512x1024xf32>
    %add3A_21 = vector.broadcast %get3A_19 : vector<1x1024xf32> to vector<512x1024xf32>
    %add3A_22 = arith.addf %add3A, %add3A_21 : vector<512x1024xf32>
    %mul3A_23 = arith.constant 2.000000e+00 : f32
    %mul3A_24 = vector.broadcast %mul3A_23 : f32 to vector<512x1024xf32>
    %mul3A_25 = arith.mulf %mul3A_24, %dot_general3A_20 : vector<512x1024xf32>
    %sub3A = arith.subf %add3A_22, %mul3A_25 : vector<512x1024xf32>
    %reduce_min3A = arith.constant dense<0x7F800000> : vector<512xf32>
    %reduce_min3A_26 = vector.multi_reduction <minimumf>, %sub3A, %reduce_min3A [1] : vector<512x1024xf32> to vector<512xf32>
    %broadcast_in_dim3A_27 = vector.shape_cast %reduce_min3A_26 : vector<512xf32> to vector<512x1xf32>
    %eq3A_28 = vector.broadcast %broadcast_in_dim3A_27 : vector<512x1xf32> to vector<512x1024xf32>
    %eq3A_29 = arith.cmpf oeq, %sub3A, %eq3A_28 : vector<512x1024xf32>
    %jit3A = arith.constant 1.07374182E+9 : f32
    %broadcast_in_dim3A_30 = vector.broadcast %jit3A : f32 to vector<512x1024xf32>
    %select_n3A = arith.select %eq3A_29, %convert_element_type3A_13, %broadcast_in_dim3A_30 : vector<512x1024xi1>, vector<512x1024xf32>
    %reduce_min3A_31 = arith.constant dense<0x7F800000> : vector<512xf32>
    %reduce_min3A_32 = vector.multi_reduction <minimumf>, %select_n3A, %reduce_min3A_31 [1] : vector<512x1024xf32> to vector<512xf32>
    %broadcast_in_dim3A_33 = vector.shape_cast %reduce_min3A_32 : vector<512xf32> to vector<512x1xf32>
    %convert_element_type3A_34 = arith.fptosi %broadcast_in_dim3A_33 : vector<512x1xf32> to vector<512x1xi32>
    %add3A_35 = arith.constant 0 : i32
    %add3A_36 = vector.broadcast %add3A_35 : i32 to vector<512x1xi32>
    %add3A_37 = arith.addi %convert_element_type3A_34, %add3A_36 : vector<512x1xi32>
    %lt3A = arith.cmpf olt, %broadcast_in_dim3A_27, %broadcast_in_dim3A_6 : vector<512x1xf32>
    %select_n3A_38 = arith.select %lt3A, %add3A_37, %broadcast_in_dim3A_10 : vector<512x1xi1>, vector<512x1xi32>
    %select_n3A_39 = arith.select %lt3A, %broadcast_in_dim3A_27, %broadcast_in_dim3A_6 : vector<512x1xi1>, vector<512x1xf32>
    %get3A_40 = arith.constant 1024 : index
    %get3A_41 = arith.constant 0 : index
    %get3A_42 = vector.load %arg2[%get3A_40, %get3A_41] : memref<8192x256xf32, #tpu.memory_space<vmem>>, vector<1024x256xf32>
    %get3A_43 = arith.constant 0 : index
    %get3A_44 = arith.constant 1024 : index
    %get3A_45 = vector.load %arg6[%get3A_43, %get3A_44] : memref<1x8192xf32, #tpu.memory_space<vmem>>, vector<1x1024xf32>
    %dot_general3A_46 = arith.constant dense<0.000000e+00> : vector<512x1024xf32>
    %dot_general3A_47 = tpu.matmul %get3A_3, %get3A_42, %dot_general3A_46 {dimension_numbers = #tpu.dot_dimension_numbers<[1], [1], [0], [0], [0, 0, 1, 0], [], []>, transpose_lhs_hint = false} : vector<512x256xf32>, vector<1024x256xf32>, vector<512x1024xf32> -> vector<512x1024xf32>
    %add3A_48 = vector.broadcast %broadcast_in_dim3A : vector<512x1xf32> to vector<512x1024xf32>
    %add3A_49 = vector.broadcast %get3A_45 : vector<1x1024xf32> to vector<512x1024xf32>
    %add3A_50 = arith.addf %add3A_48, %add3A_49 : vector<512x1024xf32>
    %mul3A_51 = arith.constant 2.000000e+00 : f32
    %mul3A_52 = vector.broadcast %mul3A_51 : f32 to vector<512x1024xf32>
    %mul3A_53 = arith.mulf %mul3A_52, %dot_general3A_47 : vector<512x1024xf32>
    %sub3A_54 = arith.subf %add3A_50, %mul3A_53 : vector<512x1024xf32>
    %reduce_min3A_55 = arith.constant dense<0x7F800000> : vector<512xf32>
    %reduce_min3A_56 = vector.multi_reduction <minimumf>, %sub3A_54, %reduce_min3A_55 [1] : vector<512x1024xf32> to vector<512xf32>
    %broadcast_in_dim3A_57 = vector.shape_cast %reduce_min3A_56 : vector<512xf32> to vector<512x1xf32>
    %eq3A_58 = vector.broadcast %broadcast_in_dim3A_57 : vector<512x1xf32> to vector<512x1024xf32>
    %eq3A_59 = arith.cmpf oeq, %sub3A_54, %eq3A_58 : vector<512x1024xf32>
    %jit3A_60 = arith.constant 1.07374182E+9 : f32
    %broadcast_in_dim3A_61 = vector.broadcast %jit3A_60 : f32 to vector<512x1024xf32>
    %select_n3A_62 = arith.select %eq3A_59, %convert_element_type3A_13, %broadcast_in_dim3A_61 : vector<512x1024xi1>, vector<512x1024xf32>
    %reduce_min3A_63 = arith.constant dense<0x7F800000> : vector<512xf32>
    %reduce_min3A_64 = vector.multi_reduction <minimumf>, %select_n3A_62, %reduce_min3A_63 [1] : vector<512x1024xf32> to vector<512xf32>
    %broadcast_in_dim3A_65 = vector.shape_cast %reduce_min3A_64 : vector<512xf32> to vector<512x1xf32>
    %convert_element_type3A_66 = arith.fptosi %broadcast_in_dim3A_65 : vector<512x1xf32> to vector<512x1xi32>
    %add3A_67 = arith.constant 1024 : i32
    %add3A_68 = vector.broadcast %add3A_67 : i32 to vector<512x1xi32>
    %add3A_69 = arith.addi %convert_element_type3A_66, %add3A_68 : vector<512x1xi32>
    %lt3A_70 = arith.cmpf olt, %broadcast_in_dim3A_57, %select_n3A_39 : vector<512x1xf32>
    %select_n3A_71 = arith.select %lt3A_70, %add3A_69, %select_n3A_38 : vector<512x1xi1>, vector<512x1xi32>
    %select_n3A_72 = arith.select %lt3A_70, %broadcast_in_dim3A_57, %select_n3A_39 : vector<512x1xi1>, vector<512x1xf32>
    %get3A_73 = arith.constant 2048 : index
    %get3A_74 = arith.constant 0 : index
    %get3A_75 = vector.load %arg2[%get3A_73, %get3A_74] : memref<8192x256xf32, #tpu.memory_space<vmem>>, vector<1024x256xf32>
    %get3A_76 = arith.constant 0 : index
    %get3A_77 = arith.constant 2048 : index
    %get3A_78 = vector.load %arg6[%get3A_76, %get3A_77] : memref<1x8192xf32, #tpu.memory_space<vmem>>, vector<1x1024xf32>
    %dot_general3A_79 = arith.constant dense<0.000000e+00> : vector<512x1024xf32>
    %dot_general3A_80 = tpu.matmul %get3A_3, %get3A_75, %dot_general3A_79 {dimension_numbers = #tpu.dot_dimension_numbers<[1], [1], [0], [0], [0, 0, 1, 0], [], []>, transpose_lhs_hint = false} : vector<512x256xf32>, vector<1024x256xf32>, vector<512x1024xf32> -> vector<512x1024xf32>
    %add3A_81 = vector.broadcast %broadcast_in_dim3A : vector<512x1xf32> to vector<512x1024xf32>
    %add3A_82 = vector.broadcast %get3A_78 : vector<1x1024xf32> to vector<512x1024xf32>
    %add3A_83 = arith.addf %add3A_81, %add3A_82 : vector<512x1024xf32>
    %mul3A_84 = arith.constant 2.000000e+00 : f32
    %mul3A_85 = vector.broadcast %mul3A_84 : f32 to vector<512x1024xf32>
    %mul3A_86 = arith.mulf %mul3A_85, %dot_general3A_80 : vector<512x1024xf32>
    %sub3A_87 = arith.subf %add3A_83, %mul3A_86 : vector<512x1024xf32>
    %reduce_min3A_88 = arith.constant dense<0x7F800000> : vector<512xf32>
    %reduce_min3A_89 = vector.multi_reduction <minimumf>, %sub3A_87, %reduce_min3A_88 [1] : vector<512x1024xf32> to vector<512xf32>
    %broadcast_in_dim3A_90 = vector.shape_cast %reduce_min3A_89 : vector<512xf32> to vector<512x1xf32>
    %eq3A_91 = vector.broadcast %broadcast_in_dim3A_90 : vector<512x1xf32> to vector<512x1024xf32>
    %eq3A_92 = arith.cmpf oeq, %sub3A_87, %eq3A_91 : vector<512x1024xf32>
    %jit3A_93 = arith.constant 1.07374182E+9 : f32
    %broadcast_in_dim3A_94 = vector.broadcast %jit3A_93 : f32 to vector<512x1024xf32>
    %select_n3A_95 = arith.select %eq3A_92, %convert_element_type3A_13, %broadcast_in_dim3A_94 : vector<512x1024xi1>, vector<512x1024xf32>
    %reduce_min3A_96 = arith.constant dense<0x7F800000> : vector<512xf32>
    %reduce_min3A_97 = vector.multi_reduction <minimumf>, %select_n3A_95, %reduce_min3A_96 [1] : vector<512x1024xf32> to vector<512xf32>
    %broadcast_in_dim3A_98 = vector.shape_cast %reduce_min3A_97 : vector<512xf32> to vector<512x1xf32>
    %convert_element_type3A_99 = arith.fptosi %broadcast_in_dim3A_98 : vector<512x1xf32> to vector<512x1xi32>
    %add3A_100 = arith.constant 2048 : i32
    %add3A_101 = vector.broadcast %add3A_100 : i32 to vector<512x1xi32>
    %add3A_102 = arith.addi %convert_element_type3A_99, %add3A_101 : vector<512x1xi32>
    %lt3A_103 = arith.cmpf olt, %broadcast_in_dim3A_90, %select_n3A_72 : vector<512x1xf32>
    %select_n3A_104 = arith.select %lt3A_103, %add3A_102, %select_n3A_71 : vector<512x1xi1>, vector<512x1xi32>
    %select_n3A_105 = arith.select %lt3A_103, %broadcast_in_dim3A_90, %select_n3A_72 : vector<512x1xi1>, vector<512x1xf32>
    %get3A_106 = arith.constant 3072 : index
    %get3A_107 = arith.constant 0 : index
    %get3A_108 = vector.load %arg2[%get3A_106, %get3A_107] : memref<8192x256xf32, #tpu.memory_space<vmem>>, vector<1024x256xf32>
    %get3A_109 = arith.constant 0 : index
    %get3A_110 = arith.constant 3072 : index
    %get3A_111 = vector.load %arg6[%get3A_109, %get3A_110] : memref<1x8192xf32, #tpu.memory_space<vmem>>, vector<1x1024xf32>
    %dot_general3A_112 = arith.constant dense<0.000000e+00> : vector<512x1024xf32>
    %dot_general3A_113 = tpu.matmul %get3A_3, %get3A_108, %dot_general3A_112 {dimension_numbers = #tpu.dot_dimension_numbers<[1], [1], [0], [0], [0, 0, 1, 0], [], []>, transpose_lhs_hint = false} : vector<512x256xf32>, vector<1024x256xf32>, vector<512x1024xf32> -> vector<512x1024xf32>
    %add3A_114 = vector.broadcast %broadcast_in_dim3A : vector<512x1xf32> to vector<512x1024xf32>
    %add3A_115 = vector.broadcast %get3A_111 : vector<1x1024xf32> to vector<512x1024xf32>
    %add3A_116 = arith.addf %add3A_114, %add3A_115 : vector<512x1024xf32>
    %mul3A_117 = arith.constant 2.000000e+00 : f32
    %mul3A_118 = vector.broadcast %mul3A_117 : f32 to vector<512x1024xf32>
    %mul3A_119 = arith.mulf %mul3A_118, %dot_general3A_113 : vector<512x1024xf32>
    %sub3A_120 = arith.subf %add3A_116, %mul3A_119 : vector<512x1024xf32>
    %reduce_min3A_121 = arith.constant dense<0x7F800000> : vector<512xf32>
    %reduce_min3A_122 = vector.multi_reduction <minimumf>, %sub3A_120, %reduce_min3A_121 [1] : vector<512x1024xf32> to vector<512xf32>
    %broadcast_in_dim3A_123 = vector.shape_cast %reduce_min3A_122 : vector<512xf32> to vector<512x1xf32>
    %eq3A_124 = vector.broadcast %broadcast_in_dim3A_123 : vector<512x1xf32> to vector<512x1024xf32>
    %eq3A_125 = arith.cmpf oeq, %sub3A_120, %eq3A_124 : vector<512x1024xf32>
    %jit3A_126 = arith.constant 1.07374182E+9 : f32
    %broadcast_in_dim3A_127 = vector.broadcast %jit3A_126 : f32 to vector<512x1024xf32>
    %select_n3A_128 = arith.select %eq3A_125, %convert_element_type3A_13, %broadcast_in_dim3A_127 : vector<512x1024xi1>, vector<512x1024xf32>
    %reduce_min3A_129 = arith.constant dense<0x7F800000> : vector<512xf32>
    %reduce_min3A_130 = vector.multi_reduction <minimumf>, %select_n3A_128, %reduce_min3A_129 [1] : vector<512x1024xf32> to vector<512xf32>
    %broadcast_in_dim3A_131 = vector.shape_cast %reduce_min3A_130 : vector<512xf32> to vector<512x1xf32>
    %convert_element_type3A_132 = arith.fptosi %broadcast_in_dim3A_131 : vector<512x1xf32> to vector<512x1xi32>
    %add3A_133 = arith.constant 3072 : i32
    %add3A_134 = vector.broadcast %add3A_133 : i32 to vector<512x1xi32>
    %add3A_135 = arith.addi %convert_element_type3A_132, %add3A_134 : vector<512x1xi32>
    %lt3A_136 = arith.cmpf olt, %broadcast_in_dim3A_123, %select_n3A_105 : vector<512x1xf32>
    %select_n3A_137 = arith.select %lt3A_136, %add3A_135, %select_n3A_104 : vector<512x1xi1>, vector<512x1xi32>
    %select_n3A_138 = arith.select %lt3A_136, %broadcast_in_dim3A_123, %select_n3A_105 : vector<512x1xi1>, vector<512x1xf32>
    %get3A_139 = arith.constant 4096 : index
    %get3A_140 = arith.constant 0 : index
    %get3A_141 = vector.load %arg2[%get3A_139, %get3A_140] : memref<8192x256xf32, #tpu.memory_space<vmem>>, vector<1024x256xf32>
    %get3A_142 = arith.constant 0 : index
    %get3A_143 = arith.constant 4096 : index
    %get3A_144 = vector.load %arg6[%get3A_142, %get3A_143] : memref<1x8192xf32, #tpu.memory_space<vmem>>, vector<1x1024xf32>
    %dot_general3A_145 = arith.constant dense<0.000000e+00> : vector<512x1024xf32>
    %dot_general3A_146 = tpu.matmul %get3A_3, %get3A_141, %dot_general3A_145 {dimension_numbers = #tpu.dot_dimension_numbers<[1], [1], [0], [0], [0, 0, 1, 0], [], []>, transpose_lhs_hint = false} : vector<512x256xf32>, vector<1024x256xf32>, vector<512x1024xf32> -> vector<512x1024xf32>
    %add3A_147 = vector.broadcast %broadcast_in_dim3A : vector<512x1xf32> to vector<512x1024xf32>
    %add3A_148 = vector.broadcast %get3A_144 : vector<1x1024xf32> to vector<512x1024xf32>
    %add3A_149 = arith.addf %add3A_147, %add3A_148 : vector<512x1024xf32>
    %mul3A_150 = arith.constant 2.000000e+00 : f32
    %mul3A_151 = vector.broadcast %mul3A_150 : f32 to vector<512x1024xf32>
    %mul3A_152 = arith.mulf %mul3A_151, %dot_general3A_146 : vector<512x1024xf32>
    %sub3A_153 = arith.subf %add3A_149, %mul3A_152 : vector<512x1024xf32>
    %reduce_min3A_154 = arith.constant dense<0x7F800000> : vector<512xf32>
    %reduce_min3A_155 = vector.multi_reduction <minimumf>, %sub3A_153, %reduce_min3A_154 [1] : vector<512x1024xf32> to vector<512xf32>
    %broadcast_in_dim3A_156 = vector.shape_cast %reduce_min3A_155 : vector<512xf32> to vector<512x1xf32>
    %eq3A_157 = vector.broadcast %broadcast_in_dim3A_156 : vector<512x1xf32> to vector<512x1024xf32>
    %eq3A_158 = arith.cmpf oeq, %sub3A_153, %eq3A_157 : vector<512x1024xf32>
    %jit3A_159 = arith.constant 1.07374182E+9 : f32
    %broadcast_in_dim3A_160 = vector.broadcast %jit3A_159 : f32 to vector<512x1024xf32>
    %select_n3A_161 = arith.select %eq3A_158, %convert_element_type3A_13, %broadcast_in_dim3A_160 : vector<512x1024xi1>, vector<512x1024xf32>
    %reduce_min3A_162 = arith.constant dense<0x7F800000> : vector<512xf32>
    %reduce_min3A_163 = vector.multi_reduction <minimumf>, %select_n3A_161, %reduce_min3A_162 [1] : vector<512x1024xf32> to vector<512xf32>
    %broadcast_in_dim3A_164 = vector.shape_cast %reduce_min3A_163 : vector<512xf32> to vector<512x1xf32>
    %convert_element_type3A_165 = arith.fptosi %broadcast_in_dim3A_164 : vector<512x1xf32> to vector<512x1xi32>
    %add3A_166 = arith.constant 4096 : i32
    %add3A_167 = vector.broadcast %add3A_166 : i32 to vector<512x1xi32>
    %add3A_168 = arith.addi %convert_element_type3A_165, %add3A_167 : vector<512x1xi32>
    %lt3A_169 = arith.cmpf olt, %broadcast_in_dim3A_156, %broadcast_in_dim3A_8 : vector<512x1xf32>
    %select_n3A_170 = arith.select %lt3A_169, %add3A_168, %broadcast_in_dim3A_12 : vector<512x1xi1>, vector<512x1xi32>
    %select_n3A_171 = arith.select %lt3A_169, %broadcast_in_dim3A_156, %broadcast_in_dim3A_8 : vector<512x1xi1>, vector<512x1xf32>
    %get3A_172 = arith.constant 5120 : index
    %get3A_173 = arith.constant 0 : index
    %get3A_174 = vector.load %arg2[%get3A_172, %get3A_173] : memref<8192x256xf32, #tpu.memory_space<vmem>>, vector<1024x256xf32>
    %get3A_175 = arith.constant 0 : index
    %get3A_176 = arith.constant 5120 : index
    %get3A_177 = vector.load %arg6[%get3A_175, %get3A_176] : memref<1x8192xf32, #tpu.memory_space<vmem>>, vector<1x1024xf32>
    %dot_general3A_178 = arith.constant dense<0.000000e+00> : vector<512x1024xf32>
    %dot_general3A_179 = tpu.matmul %get3A_3, %get3A_174, %dot_general3A_178 {dimension_numbers = #tpu.dot_dimension_numbers<[1], [1], [0], [0], [0, 0, 1, 0], [], []>, transpose_lhs_hint = false} : vector<512x256xf32>, vector<1024x256xf32>, vector<512x1024xf32> -> vector<512x1024xf32>
    %add3A_180 = vector.broadcast %broadcast_in_dim3A : vector<512x1xf32> to vector<512x1024xf32>
    %add3A_181 = vector.broadcast %get3A_177 : vector<1x1024xf32> to vector<512x1024xf32>
    %add3A_182 = arith.addf %add3A_180, %add3A_181 : vector<512x1024xf32>
    %mul3A_183 = arith.constant 2.000000e+00 : f32
    %mul3A_184 = vector.broadcast %mul3A_183 : f32 to vector<512x1024xf32>
    %mul3A_185 = arith.mulf %mul3A_184, %dot_general3A_179 : vector<512x1024xf32>
    %sub3A_186 = arith.subf %add3A_182, %mul3A_185 : vector<512x1024xf32>
    %reduce_min3A_187 = arith.constant dense<0x7F800000> : vector<512xf32>
    %reduce_min3A_188 = vector.multi_reduction <minimumf>, %sub3A_186, %reduce_min3A_187 [1] : vector<512x1024xf32> to vector<512xf32>
    %broadcast_in_dim3A_189 = vector.shape_cast %reduce_min3A_188 : vector<512xf32> to vector<512x1xf32>
    %eq3A_190 = vector.broadcast %broadcast_in_dim3A_189 : vector<512x1xf32> to vector<512x1024xf32>
    %eq3A_191 = arith.cmpf oeq, %sub3A_186, %eq3A_190 : vector<512x1024xf32>
    %jit3A_192 = arith.constant 1.07374182E+9 : f32
    %broadcast_in_dim3A_193 = vector.broadcast %jit3A_192 : f32 to vector<512x1024xf32>
    %select_n3A_194 = arith.select %eq3A_191, %convert_element_type3A_13, %broadcast_in_dim3A_193 : vector<512x1024xi1>, vector<512x1024xf32>
    %reduce_min3A_195 = arith.constant dense<0x7F800000> : vector<512xf32>
    %reduce_min3A_196 = vector.multi_reduction <minimumf>, %select_n3A_194, %reduce_min3A_195 [1] : vector<512x1024xf32> to vector<512xf32>
    %broadcast_in_dim3A_197 = vector.shape_cast %reduce_min3A_196 : vector<512xf32> to vector<512x1xf32>
    %convert_element_type3A_198 = arith.fptosi %broadcast_in_dim3A_197 : vector<512x1xf32> to vector<512x1xi32>
    %add3A_199 = arith.constant 5120 : i32
    %add3A_200 = vector.broadcast %add3A_199 : i32 to vector<512x1xi32>
    %add3A_201 = arith.addi %convert_element_type3A_198, %add3A_200 : vector<512x1xi32>
    %lt3A_202 = arith.cmpf olt, %broadcast_in_dim3A_189, %select_n3A_171 : vector<512x1xf32>
    %select_n3A_203 = arith.select %lt3A_202, %add3A_201, %select_n3A_170 : vector<512x1xi1>, vector<512x1xi32>
    %select_n3A_204 = arith.select %lt3A_202, %broadcast_in_dim3A_189, %select_n3A_171 : vector<512x1xi1>, vector<512x1xf32>
    %get3A_205 = arith.constant 6144 : index
    %get3A_206 = arith.constant 0 : index
    %get3A_207 = vector.load %arg2[%get3A_205, %get3A_206] : memref<8192x256xf32, #tpu.memory_space<vmem>>, vector<1024x256xf32>
    %get3A_208 = arith.constant 0 : index
    %get3A_209 = arith.constant 6144 : index
    %get3A_210 = vector.load %arg6[%get3A_208, %get3A_209] : memref<1x8192xf32, #tpu.memory_space<vmem>>, vector<1x1024xf32>
    %dot_general3A_211 = arith.constant dense<0.000000e+00> : vector<512x1024xf32>
    %dot_general3A_212 = tpu.matmul %get3A_3, %get3A_207, %dot_general3A_211 {dimension_numbers = #tpu.dot_dimension_numbers<[1], [1], [0], [0], [0, 0, 1, 0], [], []>, transpose_lhs_hint = false} : vector<512x256xf32>, vector<1024x256xf32>, vector<512x1024xf32> -> vector<512x1024xf32>
    %add3A_213 = vector.broadcast %broadcast_in_dim3A : vector<512x1xf32> to vector<512x1024xf32>
    %add3A_214 = vector.broadcast %get3A_210 : vector<1x1024xf32> to vector<512x1024xf32>
    %add3A_215 = arith.addf %add3A_213, %add3A_214 : vector<512x1024xf32>
    %mul3A_216 = arith.constant 2.000000e+00 : f32
    %mul3A_217 = vector.broadcast %mul3A_216 : f32 to vector<512x1024xf32>
    %mul3A_218 = arith.mulf %mul3A_217, %dot_general3A_212 : vector<512x1024xf32>
    %sub3A_219 = arith.subf %add3A_215, %mul3A_218 : vector<512x1024xf32>
    %reduce_min3A_220 = arith.constant dense<0x7F800000> : vector<512xf32>
    %reduce_min3A_221 = vector.multi_reduction <minimumf>, %sub3A_219, %reduce_min3A_220 [1] : vector<512x1024xf32> to vector<512xf32>
    %broadcast_in_dim3A_222 = vector.shape_cast %reduce_min3A_221 : vector<512xf32> to vector<512x1xf32>
    %eq3A_223 = vector.broadcast %broadcast_in_dim3A_222 : vector<512x1xf32> to vector<512x1024xf32>
    %eq3A_224 = arith.cmpf oeq, %sub3A_219, %eq3A_223 : vector<512x1024xf32>
    %jit3A_225 = arith.constant 1.07374182E+9 : f32
    %broadcast_in_dim3A_226 = vector.broadcast %jit3A_225 : f32 to vector<512x1024xf32>
    %select_n3A_227 = arith.select %eq3A_224, %convert_element_type3A_13, %broadcast_in_dim3A_226 : vector<512x1024xi1>, vector<512x1024xf32>
    %reduce_min3A_228 = arith.constant dense<0x7F800000> : vector<512xf32>
    %reduce_min3A_229 = vector.multi_reduction <minimumf>, %select_n3A_227, %reduce_min3A_228 [1] : vector<512x1024xf32> to vector<512xf32>
    %broadcast_in_dim3A_230 = vector.shape_cast %reduce_min3A_229 : vector<512xf32> to vector<512x1xf32>
    %convert_element_type3A_231 = arith.fptosi %broadcast_in_dim3A_230 : vector<512x1xf32> to vector<512x1xi32>
    %add3A_232 = arith.constant 6144 : i32
    %add3A_233 = vector.broadcast %add3A_232 : i32 to vector<512x1xi32>
    %add3A_234 = arith.addi %convert_element_type3A_231, %add3A_233 : vector<512x1xi32>
    %lt3A_235 = arith.cmpf olt, %broadcast_in_dim3A_222, %select_n3A_204 : vector<512x1xf32>
    %select_n3A_236 = arith.select %lt3A_235, %add3A_234, %select_n3A_203 : vector<512x1xi1>, vector<512x1xi32>
    %select_n3A_237 = arith.select %lt3A_235, %broadcast_in_dim3A_222, %select_n3A_204 : vector<512x1xi1>, vector<512x1xf32>
    %get3A_238 = arith.constant 7168 : index
    %get3A_239 = arith.constant 0 : index
    %get3A_240 = vector.load %arg2[%get3A_238, %get3A_239] : memref<8192x256xf32, #tpu.memory_space<vmem>>, vector<1024x256xf32>
    %get3A_241 = arith.constant 0 : index
    %get3A_242 = arith.constant 7168 : index
    %get3A_243 = vector.load %arg6[%get3A_241, %get3A_242] : memref<1x8192xf32, #tpu.memory_space<vmem>>, vector<1x1024xf32>
    %dot_general3A_244 = arith.constant dense<0.000000e+00> : vector<512x1024xf32>
    %dot_general3A_245 = tpu.matmul %get3A_3, %get3A_240, %dot_general3A_244 {dimension_numbers = #tpu.dot_dimension_numbers<[1], [1], [0], [0], [0, 0, 1, 0], [], []>, transpose_lhs_hint = false} : vector<512x256xf32>, vector<1024x256xf32>, vector<512x1024xf32> -> vector<512x1024xf32>
    %add3A_246 = vector.broadcast %broadcast_in_dim3A : vector<512x1xf32> to vector<512x1024xf32>
    %add3A_247 = vector.broadcast %get3A_243 : vector<1x1024xf32> to vector<512x1024xf32>
    %add3A_248 = arith.addf %add3A_246, %add3A_247 : vector<512x1024xf32>
    %mul3A_249 = arith.constant 2.000000e+00 : f32
    %mul3A_250 = vector.broadcast %mul3A_249 : f32 to vector<512x1024xf32>
    %mul3A_251 = arith.mulf %mul3A_250, %dot_general3A_245 : vector<512x1024xf32>
    %sub3A_252 = arith.subf %add3A_248, %mul3A_251 : vector<512x1024xf32>
    %reduce_min3A_253 = arith.constant dense<0x7F800000> : vector<512xf32>
    %reduce_min3A_254 = vector.multi_reduction <minimumf>, %sub3A_252, %reduce_min3A_253 [1] : vector<512x1024xf32> to vector<512xf32>
    %broadcast_in_dim3A_255 = vector.shape_cast %reduce_min3A_254 : vector<512xf32> to vector<512x1xf32>
    %eq3A_256 = vector.broadcast %broadcast_in_dim3A_255 : vector<512x1xf32> to vector<512x1024xf32>
    %eq3A_257 = arith.cmpf oeq, %sub3A_252, %eq3A_256 : vector<512x1024xf32>
    %jit3A_258 = arith.constant 1.07374182E+9 : f32
    %broadcast_in_dim3A_259 = vector.broadcast %jit3A_258 : f32 to vector<512x1024xf32>
    %select_n3A_260 = arith.select %eq3A_257, %convert_element_type3A_13, %broadcast_in_dim3A_259 : vector<512x1024xi1>, vector<512x1024xf32>
    %reduce_min3A_261 = arith.constant dense<0x7F800000> : vector<512xf32>
    %reduce_min3A_262 = vector.multi_reduction <minimumf>, %select_n3A_260, %reduce_min3A_261 [1] : vector<512x1024xf32> to vector<512xf32>
    %broadcast_in_dim3A_263 = vector.shape_cast %reduce_min3A_262 : vector<512xf32> to vector<512x1xf32>
    %convert_element_type3A_264 = arith.fptosi %broadcast_in_dim3A_263 : vector<512x1xf32> to vector<512x1xi32>
    %add3A_265 = arith.constant 7168 : i32
    %add3A_266 = vector.broadcast %add3A_265 : i32 to vector<512x1xi32>
    %add3A_267 = arith.addi %convert_element_type3A_264, %add3A_266 : vector<512x1xi32>
    %lt3A_268 = arith.cmpf olt, %broadcast_in_dim3A_255, %select_n3A_237 : vector<512x1xf32>
    %select_n3A_269 = arith.select %lt3A_268, %add3A_267, %select_n3A_236 : vector<512x1xi1>, vector<512x1xi32>
    %select_n3A_270 = arith.select %lt3A_268, %broadcast_in_dim3A_255, %select_n3A_237 : vector<512x1xi1>, vector<512x1xf32>
    %convert_element_type3A_271 = arith.truncf %select_n3A_138 : vector<512x1xf32> to vector<512x1xbf16>
    %convert_element_type3A_272 = arith.extf %convert_element_type3A_271 : vector<512x1xbf16> to vector<512x1xf32>
    %lt3A_273 = arith.cmpf olt, %select_n3A_270, %convert_element_type3A_272 : vector<512x1xf32>
    %select_n3A_274 = arith.select %lt3A_273, %select_n3A_269, %select_n3A_137 : vector<512x1xi1>, vector<512x1xi32>
    %swap3A = arith.constant 0 : index
    %swap3A_275 = arith.constant 0 : index
    %swap3A_276 = arith.constant 0 : index
    %swap3A_277 = vector.load %arg3[%swap3A, %swap3A_275, %swap3A_276] : memref<1x512x1xi32, #tpu.memory_space<vmem>>, vector<1x512x1xi32>
    %swap3A_278 = vector.shape_cast %swap3A_277 : vector<1x512x1xi32> to vector<512x1xi32>
    %swap3A_279 = vector.shape_cast %select_n3A_274 : vector<512x1xi32> to vector<1x512x1xi32>
    tpu.vector_store %arg3[%swap3A, %swap3A_275, %swap3A_276], %swap3A_279 {strides = array<i32>} : memref<1x512x1xi32, #tpu.memory_space<vmem>>, vector<1x512x1xi32>,
    %eq3A_280 = arith.constant 0 : i32
    %eq3A_281 = arith.cmpi eq, %arg0, %eq3A_280 : i32
    %convert_element_type3A_282 = arith.extui %eq3A_281 : i1 to i32
    %cond3A_283 = arith.constant 0 : i32
    %cond3A_284 = arith.cmpi ne, %convert_element_type3A_282, %cond3A_283 : i32
    scf.if %cond3A_284 {
      %broadcast_in_dim3A_427 = arith.constant 0.000000e+00 : f32
      %broadcast_in_dim3A_428 = vector.broadcast %broadcast_in_dim3A_427 : f32 to vector<1x8192xf32>
      %swap3A_429 = arith.constant 0 : index
      %swap3A_430 = arith.constant 0 : index
      %swap3A_431 = vector.load %arg4[%swap3A_429, %swap3A_430] : memref<1x8192xf32, #tpu.memory_space<vmem>>, vector<1x8192xf32>
      tpu.vector_store %arg4[%swap3A_429, %swap3A_430], %broadcast_in_dim3A_428 {strides = array<i32>} : memref<1x8192xf32, #tpu.memory_space<vmem>>, vector<1x8192xf32>,
    } else {
    }
    %convert_element_type3A_285 = arith.sitofp %select_n3A_274 : vector<512x1xi32> to vector<512x1xf32>
    %sub3A_286 = arith.constant 0.000000e+00 : f32
    %sub3A_287 = vector.broadcast %sub3A_286 : f32 to vector<512x1xf32>
    %sub3A_288 = arith.subf %convert_element_type3A_285, %sub3A_287 : vector<512x1xf32>
    %eq3A_289 = vector.broadcast %sub3A_288 : vector<512x1xf32> to vector<512x1024xf32>
    %eq3A_290 = arith.cmpf oeq, %eq3A_289, %convert_element_type3A_13 : vector<512x1024xf32>
    %convert_element_type3A_291 = arith.extui %eq3A_290 : vector<512x1024xi1> to vector<512x1024xi32>
    %convert_element_type3A_292 = arith.sitofp %convert_element_type3A_291 : vector<512x1024xi32> to vector<512x1024xf32>
    %reduce_sum3A_293 = arith.constant dense<0.000000e+00> : vector<1024xf32>
    %reduce_sum3A_294 = vector.multi_reduction <add>, %convert_element_type3A_292, %reduce_sum3A_293 [0] : vector<512x1024xf32> to vector<1024xf32>
    %broadcast_in_dim3A_295 = vector.shape_cast %reduce_sum3A_294 : vector<1024xf32> to vector<1x1024xf32>
    %get3A_296 = arith.constant 0 : index
    %get3A_297 = arith.constant 0 : index
    %get3A_298 = vector.load %arg4[%get3A_296, %get3A_297] : memref<1x8192xf32, #tpu.memory_space<vmem>>, vector<1x1024xf32>
    %add3A_299 = arith.addf %get3A_298, %broadcast_in_dim3A_295 : vector<1x1024xf32>
    %swap3A_300 = arith.constant 0 : index
    %swap3A_301 = arith.constant 0 : index
    %swap3A_302 = vector.load %arg4[%swap3A_300, %swap3A_301] : memref<1x8192xf32, #tpu.memory_space<vmem>>, vector<1x1024xf32>
    tpu.vector_store %arg4[%swap3A_300, %swap3A_301], %add3A_299 {strides = array<i32>} : memref<1x8192xf32, #tpu.memory_space<vmem>>, vector<1x1024xf32>,
    %sub3A_303 = arith.constant 1.024000e+03 : f32
    %sub3A_304 = vector.broadcast %sub3A_303 : f32 to vector<512x1xf32>
    %sub3A_305 = arith.subf %convert_element_type3A_285, %sub3A_304 : vector<512x1xf32>
    %eq3A_306 = vector.broadcast %sub3A_305 : vector<512x1xf32> to vector<512x1024xf32>
    %eq3A_307 = arith.cmpf oeq, %eq3A_306, %convert_element_type3A_13 : vector<512x1024xf32>
    %convert_element_type3A_308 = arith.extui %eq3A_307 : vector<512x1024xi1> to vector<512x1024xi32>
    %convert_element_type3A_309 = arith.sitofp %convert_element_type3A_308 : vector<512x1024xi32> to vector<512x1024xf32>
    %reduce_sum3A_310 = arith.constant dense<0.000000e+00> : vector<1024xf32>
    %reduce_sum3A_311 = vector.multi_reduction <add>, %convert_element_type3A_309, %reduce_sum3A_310 [0] : vector<512x1024xf32> to vector<1024xf32>
    %broadcast_in_dim3A_312 = vector.shape_cast %reduce_sum3A_311 : vector<1024xf32> to vector<1x1024xf32>
    %get3A_313 = arith.constant 0 : index
    %get3A_314 = arith.constant 1024 : index
    %get3A_315 = vector.load %arg4[%get3A_313, %get3A_314] : memref<1x8192xf32, #tpu.memory_space<vmem>>, vector<1x1024xf32>
    %add3A_316 = arith.addf %get3A_315, %broadcast_in_dim3A_312 : vector<1x1024xf32>
    %swap3A_317 = arith.constant 0 : index
    %swap3A_318 = arith.constant 1024 : index
    %swap3A_319 = vector.load %arg4[%swap3A_317, %swap3A_318] : memref<1x8192xf32, #tpu.memory_space<vmem>>, vector<1x1024xf32>
    tpu.vector_store %arg4[%swap3A_317, %swap3A_318], %add3A_316 {strides = array<i32>} : memref<1x8192xf32, #tpu.memory_space<vmem>>, vector<1x1024xf32>,
    %sub3A_320 = arith.constant 2.048000e+03 : f32
    %sub3A_321 = vector.broadcast %sub3A_320 : f32 to vector<512x1xf32>
    %sub3A_322 = arith.subf %convert_element_type3A_285, %sub3A_321 : vector<512x1xf32>
    %eq3A_323 = vector.broadcast %sub3A_322 : vector<512x1xf32> to vector<512x1024xf32>
    %eq3A_324 = arith.cmpf oeq, %eq3A_323, %convert_element_type3A_13 : vector<512x1024xf32>
    %convert_element_type3A_325 = arith.extui %eq3A_324 : vector<512x1024xi1> to vector<512x1024xi32>
    %convert_element_type3A_326 = arith.sitofp %convert_element_type3A_325 : vector<512x1024xi32> to vector<512x1024xf32>
    %reduce_sum3A_327 = arith.constant dense<0.000000e+00> : vector<1024xf32>
    %reduce_sum3A_328 = vector.multi_reduction <add>, %convert_element_type3A_326, %reduce_sum3A_327 [0] : vector<512x1024xf32> to vector<1024xf32>
    %broadcast_in_dim3A_329 = vector.shape_cast %reduce_sum3A_328 : vector<1024xf32> to vector<1x1024xf32>
    %get3A_330 = arith.constant 0 : index
    %get3A_331 = arith.constant 2048 : index
    %get3A_332 = vector.load %arg4[%get3A_330, %get3A_331] : memref<1x8192xf32, #tpu.memory_space<vmem>>, vector<1x1024xf32>
    %add3A_333 = arith.addf %get3A_332, %broadcast_in_dim3A_329 : vector<1x1024xf32>
    %swap3A_334 = arith.constant 0 : index
    %swap3A_335 = arith.constant 2048 : index
    %swap3A_336 = vector.load %arg4[%swap3A_334, %swap3A_335] : memref<1x8192xf32, #tpu.memory_space<vmem>>, vector<1x1024xf32>
    tpu.vector_store %arg4[%swap3A_334, %swap3A_335], %add3A_333 {strides = array<i32>} : memref<1x8192xf32, #tpu.memory_space<vmem>>, vector<1x1024xf32>,
    %sub3A_337 = arith.constant 3.072000e+03 : f32
    %sub3A_338 = vector.broadcast %sub3A_337 : f32 to vector<512x1xf32>
    %sub3A_339 = arith.subf %convert_element_type3A_285, %sub3A_338 : vector<512x1xf32>
    %eq3A_340 = vector.broadcast %sub3A_339 : vector<512x1xf32> to vector<512x1024xf32>
    %eq3A_341 = arith.cmpf oeq, %eq3A_340, %convert_element_type3A_13 : vector<512x1024xf32>
    %convert_element_type3A_342 = arith.extui %eq3A_341 : vector<512x1024xi1> to vector<512x1024xi32>
    %convert_element_type3A_343 = arith.sitofp %convert_element_type3A_342 : vector<512x1024xi32> to vector<512x1024xf32>
    %reduce_sum3A_344 = arith.constant dense<0.000000e+00> : vector<1024xf32>
    %reduce_sum3A_345 = vector.multi_reduction <add>, %convert_element_type3A_343, %reduce_sum3A_344 [0] : vector<512x1024xf32> to vector<1024xf32>
    %broadcast_in_dim3A_346 = vector.shape_cast %reduce_sum3A_345 : vector<1024xf32> to vector<1x1024xf32>
    %get3A_347 = arith.constant 0 : index
    %get3A_348 = arith.constant 3072 : index
    %get3A_349 = vector.load %arg4[%get3A_347, %get3A_348] : memref<1x8192xf32, #tpu.memory_space<vmem>>, vector<1x1024xf32>
    %add3A_350 = arith.addf %get3A_349, %broadcast_in_dim3A_346 : vector<1x1024xf32>
    %swap3A_351 = arith.constant 0 : index
    %swap3A_352 = arith.constant 3072 : index
    %swap3A_353 = vector.load %arg4[%swap3A_351, %swap3A_352] : memref<1x8192xf32, #tpu.memory_space<vmem>>, vector<1x1024xf32>
    tpu.vector_store %arg4[%swap3A_351, %swap3A_352], %add3A_350 {strides = array<i32>} : memref<1x8192xf32, #tpu.memory_space<vmem>>, vector<1x1024xf32>,
    %sub3A_354 = arith.constant 4.096000e+03 : f32
    %sub3A_355 = vector.broadcast %sub3A_354 : f32 to vector<512x1xf32>
    %sub3A_356 = arith.subf %convert_element_type3A_285, %sub3A_355 : vector<512x1xf32>
    %eq3A_357 = vector.broadcast %sub3A_356 : vector<512x1xf32> to vector<512x1024xf32>
    %eq3A_358 = arith.cmpf oeq, %eq3A_357, %convert_element_type3A_13 : vector<512x1024xf32>
    %convert_element_type3A_359 = arith.extui %eq3A_358 : vector<512x1024xi1> to vector<512x1024xi32>
    %convert_element_type3A_360 = arith.sitofp %convert_element_type3A_359 : vector<512x1024xi32> to vector<512x1024xf32>
    %reduce_sum3A_361 = arith.constant dense<0.000000e+00> : vector<1024xf32>
    %reduce_sum3A_362 = vector.multi_reduction <add>, %convert_element_type3A_360, %reduce_sum3A_361 [0] : vector<512x1024xf32> to vector<1024xf32>
    %broadcast_in_dim3A_363 = vector.shape_cast %reduce_sum3A_362 : vector<1024xf32> to vector<1x1024xf32>
    %get3A_364 = arith.constant 0 : index
    %get3A_365 = arith.constant 4096 : index
    %get3A_366 = vector.load %arg4[%get3A_364, %get3A_365] : memref<1x8192xf32, #tpu.memory_space<vmem>>, vector<1x1024xf32>
    %add3A_367 = arith.addf %get3A_366, %broadcast_in_dim3A_363 : vector<1x1024xf32>
    %swap3A_368 = arith.constant 0 : index
    %swap3A_369 = arith.constant 4096 : index
    %swap3A_370 = vector.load %arg4[%swap3A_368, %swap3A_369] : memref<1x8192xf32, #tpu.memory_space<vmem>>, vector<1x1024xf32>
    tpu.vector_store %arg4[%swap3A_368, %swap3A_369], %add3A_367 {strides = array<i32>} : memref<1x8192xf32, #tpu.memory_space<vmem>>, vector<1x1024xf32>,
    %sub3A_371 = arith.constant 5.120000e+03 : f32
    %sub3A_372 = vector.broadcast %sub3A_371 : f32 to vector<512x1xf32>
    %sub3A_373 = arith.subf %convert_element_type3A_285, %sub3A_372 : vector<512x1xf32>
    %eq3A_374 = vector.broadcast %sub3A_373 : vector<512x1xf32> to vector<512x1024xf32>
    %eq3A_375 = arith.cmpf oeq, %eq3A_374, %convert_element_type3A_13 : vector<512x1024xf32>
    %convert_element_type3A_376 = arith.extui %eq3A_375 : vector<512x1024xi1> to vector<512x1024xi32>
    %convert_element_type3A_377 = arith.sitofp %convert_element_type3A_376 : vector<512x1024xi32> to vector<512x1024xf32>
    %reduce_sum3A_378 = arith.constant dense<0.000000e+00> : vector<1024xf32>
    %reduce_sum3A_379 = vector.multi_reduction <add>, %convert_element_type3A_377, %reduce_sum3A_378 [0] : vector<512x1024xf32> to vector<1024xf32>
    %broadcast_in_dim3A_380 = vector.shape_cast %reduce_sum3A_379 : vector<1024xf32> to vector<1x1024xf32>
    %get3A_381 = arith.constant 0 : index
    %get3A_382 = arith.constant 5120 : index
    %get3A_383 = vector.load %arg4[%get3A_381, %get3A_382] : memref<1x8192xf32, #tpu.memory_space<vmem>>, vector<1x1024xf32>
    %add3A_384 = arith.addf %get3A_383, %broadcast_in_dim3A_380 : vector<1x1024xf32>
    %swap3A_385 = arith.constant 0 : index
    %swap3A_386 = arith.constant 5120 : index
    %swap3A_387 = vector.load %arg4[%swap3A_385, %swap3A_386] : memref<1x8192xf32, #tpu.memory_space<vmem>>, vector<1x1024xf32>
    tpu.vector_store %arg4[%swap3A_385, %swap3A_386], %add3A_384 {strides = array<i32>} : memref<1x8192xf32, #tpu.memory_space<vmem>>, vector<1x1024xf32>,
    %sub3A_388 = arith.constant 6.144000e+03 : f32
    %sub3A_389 = vector.broadcast %sub3A_388 : f32 to vector<512x1xf32>
    %sub3A_390 = arith.subf %convert_element_type3A_285, %sub3A_389 : vector<512x1xf32>
    %eq3A_391 = vector.broadcast %sub3A_390 : vector<512x1xf32> to vector<512x1024xf32>
    %eq3A_392 = arith.cmpf oeq, %eq3A_391, %convert_element_type3A_13 : vector<512x1024xf32>
    %convert_element_type3A_393 = arith.extui %eq3A_392 : vector<512x1024xi1> to vector<512x1024xi32>
    %convert_element_type3A_394 = arith.sitofp %convert_element_type3A_393 : vector<512x1024xi32> to vector<512x1024xf32>
    %reduce_sum3A_395 = arith.constant dense<0.000000e+00> : vector<1024xf32>
    %reduce_sum3A_396 = vector.multi_reduction <add>, %convert_element_type3A_394, %reduce_sum3A_395 [0] : vector<512x1024xf32> to vector<1024xf32>
    %broadcast_in_dim3A_397 = vector.shape_cast %reduce_sum3A_396 : vector<1024xf32> to vector<1x1024xf32>
    %get3A_398 = arith.constant 0 : index
    %get3A_399 = arith.constant 6144 : index
    %get3A_400 = vector.load %arg4[%get3A_398, %get3A_399] : memref<1x8192xf32, #tpu.memory_space<vmem>>, vector<1x1024xf32>
    %add3A_401 = arith.addf %get3A_400, %broadcast_in_dim3A_397 : vector<1x1024xf32>
    %swap3A_402 = arith.constant 0 : index
    %swap3A_403 = arith.constant 6144 : index
    %swap3A_404 = vector.load %arg4[%swap3A_402, %swap3A_403] : memref<1x8192xf32, #tpu.memory_space<vmem>>, vector<1x1024xf32>
    tpu.vector_store %arg4[%swap3A_402, %swap3A_403], %add3A_401 {strides = array<i32>} : memref<1x8192xf32, #tpu.memory_space<vmem>>, vector<1x1024xf32>,
    %sub3A_405 = arith.constant 7.168000e+03 : f32
    %sub3A_406 = vector.broadcast %sub3A_405 : f32 to vector<512x1xf32>
    %sub3A_407 = arith.subf %convert_element_type3A_285, %sub3A_406 : vector<512x1xf32>
    %eq3A_408 = vector.broadcast %sub3A_407 : vector<512x1xf32> to vector<512x1024xf32>
    %eq3A_409 = arith.cmpf oeq, %eq3A_408, %convert_element_type3A_13 : vector<512x1024xf32>
    %convert_element_type3A_410 = arith.extui %eq3A_409 : vector<512x1024xi1> to vector<512x1024xi32>
    %convert_element_type3A_411 = arith.sitofp %convert_element_type3A_410 : vector<512x1024xi32> to vector<512x1024xf32>
    %reduce_sum3A_412 = arith.constant dense<0.000000e+00> : vector<1024xf32>
    %reduce_sum3A_413 = vector.multi_reduction <add>, %convert_element_type3A_411, %reduce_sum3A_412 [0] : vector<512x1024xf32> to vector<1024xf32>
    %broadcast_in_dim3A_414 = vector.shape_cast %reduce_sum3A_413 : vector<1024xf32> to vector<1x1024xf32>
    %get3A_415 = arith.constant 0 : index
    %get3A_416 = arith.constant 7168 : index
    %get3A_417 = vector.load %arg4[%get3A_415, %get3A_416] : memref<1x8192xf32, #tpu.memory_space<vmem>>, vector<1x1024xf32>
    %add3A_418 = arith.addf %get3A_417, %broadcast_in_dim3A_414 : vector<1x1024xf32>
    %swap3A_419 = arith.constant 0 : index
    %swap3A_420 = arith.constant 7168 : index
    %swap3A_421 = vector.load %arg4[%swap3A_419, %swap3A_420] : memref<1x8192xf32, #tpu.memory_space<vmem>>, vector<1x1024xf32>
    tpu.vector_store %arg4[%swap3A_419, %swap3A_420], %add3A_418 {strides = array<i32>} : memref<1x8192xf32, #tpu.memory_space<vmem>>, vector<1x1024xf32>,
    %eq3A_422 = arith.constant 31 : i32
    %eq3A_423 = arith.cmpi eq, %arg0, %eq3A_422 : i32
    %convert_element_type3A_424 = arith.extui %eq3A_423 : i1 to i32
    %cond3A_425 = arith.constant 0 : i32
    %cond3A_426 = arith.cmpi ne, %convert_element_type3A_424, %cond3A_425 : i32
    scf.if %cond3A_426 {
      %get3A_427 = arith.constant 0 : index
      %get3A_428 = arith.constant 0 : index
      %get3A_429 = vector.load %arg4[%get3A_427, %get3A_428] : memref<1x8192xf32, #tpu.memory_space<vmem>>, vector<1x8192xf32>
      %mul3A_430 = arith.constant 6.10351563E-5 : f32
      %mul3A_431 = vector.broadcast %mul3A_430 : f32 to vector<1x8192xf32>
      %mul3A_432 = arith.mulf %get3A_429, %mul3A_431 : vector<1x8192xf32>
      %add3A_433 = arith.constant 1.000000e-10 : f32
      %add3A_434 = vector.broadcast %add3A_433 : f32 to vector<1x8192xf32>
      %add3A_435 = arith.addf %mul3A_432, %add3A_434 : vector<1x8192xf32>
      %log3A = math.log %add3A_435 : vector<1x8192xf32>
      %mul3A_436 = arith.mulf %mul3A_432, %log3A : vector<1x8192xf32>
      %reduce_sum3A_437 = vector.shape_cast %mul3A_436 : vector<1x8192xf32> to vector<1x1x8192xf32>
      %reduce_sum3A_438 = arith.constant dense<0.000000e+00> : vector<1xf32>
      %reduce_sum3A_439 = vector.multi_reduction <add>, %reduce_sum3A_437, %reduce_sum3A_438 [1, 2] : vector<1x1x8192xf32> to vector<1xf32>
      %reduce_sum3A_440 = vector.shape_cast %reduce_sum3A_439 : vector<1xf32> to vector<1x1x1xf32>
      %reduce_sum3A_441 = vector.extract %reduce_sum3A_440[0, 0, 0] : f32 from vector<1x1x1xf32>
      %broadcast_in_dim3A_442 = vector.broadcast %reduce_sum3A_441 : f32 to vector<1x1xf32>
      %neg3A = arith.constant 0.000000e+00 : f32
      %neg3A_443 = vector.broadcast %neg3A : f32 to vector<1x1xf32>
      %neg3A_444 = arith.subf %neg3A_443, %broadcast_in_dim3A_442 : vector<1x1xf32>
      %exp3A = math.exp %neg3A_444 : vector<1x1xf32>
      %swap3A_445 = arith.constant 0 : index
      %swap3A_446 = arith.constant 0 : index
      %swap3A_447 = vector.load %arg5[%swap3A_445, %swap3A_446] : memref<1x1xf32, #tpu.memory_space<vmem>>, vector<1x1xf32>
      tpu.vector_store %arg5[%swap3A_445, %swap3A_446], %exp3A {strides = array<i32>} : memref<1x1xf32, #tpu.memory_space<vmem>>, vector<1x1xf32>,
    } else {
    }
    return
  }
  func.func @transform_0(%arg0: i32) -> (i32, i32) {
    %c0_i32 = arith.constant 0 : i32
    %c0_i32_0 = arith.constant 0 : i32
    return %arg0, %c0_i32 : i32, i32
  }
  func.func @transform_1(%arg0: i32) -> (i32, i32) {
    %c0_i32 = arith.constant 0 : i32
    %c0_i32_0 = arith.constant 0 : i32
    %c0_i32_1 = arith.constant 0 : i32
    return %c0_i32, %c0_i32_0 : i32, i32
  }
  func.func @transform_2(%arg0: i32) -> (i32, i32, i32) {
    %c0_i32 = arith.constant 0 : i32
    %c0_i32_0 = arith.constant 0 : i32
    %c0_i32_1 = arith.constant 0 : i32
    return %arg0, %c0_i32, %c0_i32_0 : i32, i32, i32
  }
  func.func @transform_3(%arg0: i32) -> (i32, i32) {
    %c0_i32 = arith.constant 0 : i32
    %c0_i32_0 = arith.constant 0 : i32
    %c0_i32_1 = arith.constant 0 : i32
    return %c0_i32, %c0_i32_0 : i32, i32
  }
  func.func @transform_4(%arg0: i32) -> (i32, i32) {
    %c0_i32 = arith.constant 0 : i32
    %c0_i32_0 = arith.constant 0 : i32
    %c0_i32_1 = arith.constant 0 : i32
    return %c0_i32, %c0_i32_0 : i32, i32
  }
}

</mosaic_0001>

<sc_bundles>
// kernel: kernel.4.cloned.1.call-start
scs
__scs_entry_jumppad:
0x0: {  	(pc) =	sbr.rel $0x88, $3  }
0x1: {  	(tag) =	ssettag $0x0;
	lr =	simm.s32 $0x1  }
0x2: {  	[smem:$0x3F9F] =	sst lr;
	_ =	strace $0xD0000000  }
0x3: {  	_ = 	snop  }
0x4: {  	_ = 	snop  }
0x5: {  	_ = 	snop  }
0x6: {  	_ = 	snop  }
0x7: {  	_ = 	snop  }
__scs_overlays_trampoline_lowered:
0x8: {  	[smem:$0x3FAE] =	sst s0  }
0x9: {  	[smem:$0x3FAF] =	sst s1  }
0xa: {  	[smem:$0x3FB0] =	sst s2  }
0xb: {  	[smem:$0x3FB1] =	sst s3  }
0xc: {  	[smem:$0x3FB2] =	sst s4  }
0xd: {  	[smem:$0x3FB3] =	sst s5  }
0xe: {  	[smem:$0x3FB4] =	sst s6  }
0xf: {  	[smem:$0x3FB5] =	sst s7  }
0x10: {  	[smem:$0x3FB6] =	sst s8  }
0x11: {  	[smem:$0x3FB7] =	sst s9;
	s0 =	simm.s32 @!p0 $0x0  }
0x12: {  	s1 =	sld [smem:$0x3F9D];
	s0 =	simm.s32 @p0 $0x1  }
0x13: {  	[smem:$0x3FB8] =	sst s0;
	s0 =	simm.s32 @!p1 $0x0  }
0x14: {  	s2 =	sld [smem:$0x3F9C];
	s0 =	simm.s32 @p1 $0x1  }
0x15: {  	[smem:$0x3FB9] =	sst s0;
	s0 =	simm.s32 @!p2 $0x0  }
0x16: {  	s3 =	sld [smem:$0x3FDB];
	s0 =	simm.s32 @p2 $0x1  }
0x17: {  	s4 =	simm.s32 $0x1BF5;
	[smem:$0x3FBB] =	sst s0  }
0x18: {  	s0 =	sld [smem:$0x3F9E];
	_ =	swait.ge [sflag:s4], $0x0  }
0x19: {  	s7 =	sld [smem:$0x3F9F]  }
0x1a: {  	s8 =	sadd.s32 $0xFFFFE003, lr  }
0x1b: {  	s9 =	sadd.s32 $0xFFFFFEF7, lr;
	s5 =	simm.s32 $0xFFFFFFFF;
	p2 =	slt.u32 s8, $0xFFFFF086  }
0x1c: {  	p1 =	slt.u32 s9, $0xF7A;
	s5 =	simm.s32 @!p2 $0x0  }
0x1d: {  	s5 =	simm.s32 @p1 $0x1;
	p0 =	seq.s32 s7, s2  }
0x1e: {  	s7 =	smul.u32 @!p0 $0xF7A, s2;
	p2 =	seq.s32 @!p0 s5, $0x0  }
0x1f: {  	s9 =	smul.u32 $0xF7A, s1;
	s8 =	simm.s32 @!p0 $0x1BF5;
	p2 =	por !p2, p0  }
0x20: {  	[sflag:s8] =	ssyncset.s32 @!p0 $0xFFFFF086;
	s6 =	sadd.s32 @!p0 s3, s7;
	s7 =	simm.s32 @!p0 $0x108  }
0x21: {  	s3 =	sadd.s32 s3, s9;
	s6 =	sadd.s32 @!p0 $0x88, s6;
	s7 =	simm.s32 @p2 $0x1082  }
0x22: {  	[simem:s7], [sflag:s8] =	dma.local @!p0 [hbm:s6], $0xF7A  }
0x23: {  	s9 =	sor.u32 $0xD0000000, s2;
	s6 =	simm.s32 $0x108;
	_ =	swait.ge @!p0 [sflag:s8], $0x0  }
0x24: {  	s3 =	sadd.s32 $0x88, s3;
	s6 =	simm.s32 @!p1 $0x1082;
	[sflag:s4] =	ssyncset.s32 $0xFFFFF086  }
0x25: {  	[simem:s6], [sflag:s4] =	dma.local [hbm:s3], $0xF7A  }
0x26: {  	[smem:$0x3F9F] =	sst s1;
	(tag) =	ssettag s2;
	_ =	strace s9  }
0x27: {  	s1 =	sld [smem:$0x3FAF]  }
0x28: {  	s2 =	sld [smem:$0x3FB0]  }
0x29: {  	s4 =	sld [smem:$0x3FB2]  }
0x2a: {  	p0 =	seq.s32 s5, $0x0;
	s5 =	sld [smem:$0x3FB3]  }
0x2b: {  	s6 =	sld [smem:$0x3FB4]  }
0x2c: {  	s7 =	sld [smem:$0x3FB5]  }
0x2d: {  	s3 =	simm.s32 $0x108;
	s8 =	sld [smem:$0x3FB6]  }
0x2e: {  	s3 =	simm.s32 @!p0 $0x1082;
	s9 =	sld [smem:$0x3FB7]  }
0x2f: {  	lr =	sadd.s32 s0, s3;
	s0 =	sld [smem:$0x3FAE]  }
0x30: {  	s3 =	sld [smem:$0x3FB1]  }
0x31: {  	[smem:$0x3FBA] =	sst s10  }
0x32: {  	s10 =	sld [smem:$0x3FB8];
	_ =	sdelay $0x3  }
0x33: {  	p0 =	seq.s32 s10, $0x1;
	s10 =	sld [smem:$0x3FBA];
	_ =	sdelay $0x3  }
0x34: {  	[smem:$0x3FBA] =	sst s10  }
0x35: {  	s10 =	sld [smem:$0x3FB9];
	_ =	sdelay $0x3  }
0x36: {  	p1 =	seq.s32 s10, $0x1;
	s10 =	sld [smem:$0x3FBA];
	_ =	sdelay $0x3  }
0x37: {  	[smem:$0x3FBA] =	sst s10  }
0x38: {  	s10 =	sld [smem:$0x3FBB]  }
0x39: {  	_ = 	snop;
	(pc) =	sbr.ind lr, $3  }
0x3a: {  	_ = 	snop  }
0x3b: {  	_ = 	snop  }
0x3c: {  	p2 =	seq.s32 s10, $0x1;
	s10 =	sld [smem:$0x3FBA]  }
0x3d: {  	_ =	shalt  }
0x3e: {  	_ =	shalt  }
0x3f: {  	_ =	shalt  }
0x40: {  	_ =	shalt  }
0x41: {  	_ =	shalt  }
0x42: {  	_ =	shalt  }
0x43: {  	_ =	shalt  }
0x44: {  	_ =	shalt  }
0x45: {  	_ =	shalt  }
0x46: {  	_ =	shalt  }
0x47: {  	_ =	shalt  }
0x48: {  	_ =	shalt  }
0x49: {  	_ =	shalt  }
0x4a: {  	_ =	shalt  }
0x4b: {  	_ =	shalt  }
0x4c: {  	_ =	shalt  }
0x4d: {  	_ =	shalt  }
0x4e: {  	_ =	shalt  }
0x4f: {  	_ =	shalt  }
0x50: {  	_ =	shalt  }
0x51: {  	_ =	shalt  }
0x52: {  	_ =	shalt  }
0x53: {  	_ =	shalt  }
0x54: {  	_ =	shalt  }
0x55: {  	_ =	shalt  }
0x56: {  	_ =	shalt  }
0x57: {  	_ =	shalt  }
0x58: {  	_ =	shalt  }
0x59: {  	_ =	shalt  }
0x5a: {  	_ =	shalt  }
0x5b: {  	_ =	shalt  }
0x5c: {  	_ =	shalt  }
0x5d: {  	_ =	shalt  }
0x5e: {  	_ =	shalt  }
0x5f: {  	_ =	shalt  }
0x60: {  	_ =	shalt  }
0x61: {  	_ =	shalt  }
0x62: {  	_ =	shalt  }
0x63: {  	_ =	shalt  }
0x64: {  	_ =	shalt  }
0x65: {  	_ =	shalt  }
0x66: {  	_ =	shalt  }
0x67: {  	_ =	shalt  }
0x68: {  	_ =	shalt  }
0x69: {  	_ =	shalt  }
0x6a: {  	_ =	shalt  }
0x6b: {  	_ =	shalt  }
0x6c: {  	_ =	shalt  }
0x6d: {  	_ =	shalt  }
0x6e: {  	_ =	shalt  }
0x6f: {  	_ =	shalt  }
0x70: {  	_ =	shalt  }
0x71: {  	_ =	shalt  }
0x72: {  	_ =	shalt  }
0x73: {  	_ =	shalt  }
0x74: {  	_ =	shalt  }
0x75: {  	_ =	shalt  }
0x76: {  	_ =	shalt  }
0x77: {  	_ =	shalt  }
0x78: {  	_ =	shalt  }
0x79: {  	_ =	shalt  }
0x7a: {  	_ =	shalt  }
0x7b: {  	_ =	shalt  }
0x7c: {  	_ =	shalt  }
0x7d: {  	_ =	shalt  }
0x7e: {  	_ =	shalt  }
0x7f: {  	_ =	shalt  }
0x80: {  	_ =	shalt  }
0x81: {  	_ =	shalt  }
0x82: {  	_ =	shalt  }
0x83: {  	_ =	shalt  }
0x84: {  	_ =	shalt  }
0x85: {  	_ =	shalt  }
0x86: {  	_ =	shalt  }
0x87: {  	_ =	shalt  }
.Lfunc_end0:
.L_simem_size_0:
called_computation_lowered:
.L_overlay_start_0:
0x88: {  	s2 =	sld [smem:$0x3FD9]  }
0x89: {  	s3 =	sld [smem:$0x3FFE];
	_ =	sdelay $0x1  }
0x8a: {  	s1 =	srdreg.scid  }
0x8b: {  	s0 =	sand.u32 $0x1, s1  }
0x8c: {  	s14 =	sshll.u32 s0, $0xA;
	s2 =	sadd.s32 s3, s2  }
0x8d: {  	s2 =	sadd.s32 s2, s14  }
0x8e: {  	[smem:$0x3FC6] =	sst s2  }
0x8f: {  	_ = 	snop  }
0x90: {  	s2 =	sld [smem:$0x3FD0];
	_ =	sdelay $0x2  }
0x91: {  	s4 =	simm.s32 $0xA;
	s5 =	simm.s32 $0x10;
	s15 =	sld [smem:$0x3FC8]  }
0x92: {  	[smem:s5], [sflag:s4] =	dma.local [hbm:s2], $0x1  }
0x93: {  	_ =	swait.eq [sflag:s4], $0x1  }
0x94: {  	[sflag:s4] =	ssyncset.done $0x0  }
0x95: {  	[sflag:s4] =	ssyncadd.s32 $0xFFFFFFFF  }
0x96: {  	s16 =	sld [smem:$0x10];
	(tm) =	ssettm $0x1  }
0x97: {  	s17 =	sld [smem:$0x3FFB];
	_ =	sdelay $0x3  }
0x98: {  	_ =	strace s17  }
0x99: {  	s4 =	sld [smem:$0x3FFC];
	_ =	sdelay $0x3  }
0x9a: {  	_ =	strace s4  }
0x9b: {  	s4 =	sld [smem:$0x3FFD];
	_ =	sdelay $0x3  }
0x9c: {  	_ =	strace s4  }
0x9d: {  	_ =	strace $0x8FFFFFFF  }
0x9e: {  	s18 =	sld [smem:$0x3FDB];
	_ =	sdelay $0x1  }
0x9f: {  	s19 =	simm.s32 $_scs_section_size  }
0xa0: {  	s6 =	simm.s32 $_size__tile_overlayer_lowered;
	s7 =	simm.s32 $_tile_overlayer_lowered  }
0xa1: {  	s22 =	simm.s32 $0x1BFF;
	s21 =	sshll.u32 s7, $0x1;
	s4 =	sadd.s32 s19, s18  }
0xa2: {  	s8 =	simm.s32 $0x0;
	s20 =	sshll.u32 s6, $0x1;
	s6 =	sadd.s32 s21, s4  }
0xa3: {  	[timem:s8], [sflag:s22] =	dma.local [hbm:s6], s20  }
0xa4: {  	_ =	swait.ge [sflag:s22], s20  }
0xa5: {  	s5 =	ssub.s32 $0x0, s20;
	[sflag:s22] =	ssyncset.done $0x0  }
0xa6: {  	[sflag:s22] =	ssyncadd.s32 s5;
	_ =	sdelay $0x1  }
0xa7: {  	s23 =	simm.s32 $0x1B8B  }
0xa8: {  	_ =	swait.ge [sflag:s23], $0x1  }
0xa9: {  	[sflag:s23] =	ssyncset.done $0x0  }
0xaa: {  	s25 =	simm.s32 $0x1B8E;
	s24 =	sld [smem:$0x3FFE];
	[sflag:s23] =	ssyncadd.s32 $0xFFFFFFFF  }
0xab: {  	s26 =	simm.s32 $execute0_lowered;
	[smem:$0x3FD2] =	sst s25  }
0xac: {  	s6 =	sshll.u32 s26, $0x1;
	_ =	strace $0x80000046;
	[dreg:$0x1] =	wrdreg $0xFFFFFFFF  }
0xad: {  	s28 =	simm.s32 $_size_execute0_lowered;
	s4 =	sadd.s32 s4, s6;
	[dreg:$0x0] =	wrdreg $0x0  }
0xae: {  	s6 =	sshll.u32 s28, $0x1;
	[dreg:$0x2] =	wrdreg s4  }
0xaf: {  	[dreg:$0x3] =	wrdreg s6  }
0xb0: {  	[dreg:$0x4] =	wrdreg $0xC0  }
0xb1: {  	_ =	task [dreg:s8], $0x5FFFF  }
0xb2: {  	[dreg:$0x1] =	wrdreg $0xFFFFFFFF  }
0xb3: {  	[dreg:$0x0] =	wrdreg $0x60  }
0xb4: {  	[dreg:$0x2] =	wrdreg s15  }
0xb5: {  	[dreg:$0x3] =	wrdreg s24  }
0xb6: {  	[dreg:$0x4] =	wrdreg s16  }
0xb7: {  	[dreg:$0x5] =	wrdreg $0x9  }
0xb8: {  	_ =	task.clear_ibuf [dreg:s8], $0x6FFFF;
	_ =	strace $0x90000046  }
0xb9: {  	s29 =	simm.s32 $0x9;
	_ =	strace $0x80000048  }
0xba: {  	_ =	swait.ge [sflag:s29], $0x1  }
0xbb: {  	[sflag:s29] =	ssyncadd.s32 $0xFFFFFFFF  }
0xbc: {  	_ =	strace $0x90000048  }
0xbd: {  	_ =	sfence  }
0xbe: {  	s30 =	sld [smem:$0x0];
	_ =	sdelay $0x2  }
0xbf: {  	s31 =	sshll.u32 s1, $0xD;
	s1 =	sshrl.u32 s1, $0x2  }
0xc0: {  	s3 =	sand.u32 $0x4000, s31;
	s1 =	sadd.s32 s1, s30  }
0xc1: {  	s0 =	sor.u32 s3, s0;
	s1 =	sshll.u32 s1, $0x11  }
0xc2: {  	s0 =	sor.u32 s1, s0  }
0xc3: {  	s0 =	sadd.s32 $0x8F2B, s0  }
0xc4: {  	[sflag:s0] =	ssyncadd.remote.s32 $0x1  }
0xc5: {  	_ =	sfence.sel $0xFFFF  }
0xc6: {  	[dreg:$0x0] =	wrdreg $0xFFFFFFFF;
	(pc) =	sbr.abs _section_cstart, $3  }
0xc7: {  	[dreg:$0x1] =	wrdreg $0xFFFFFFFF  }
0xc8: {  	_ =	task.clear_ibuf [dreg:s8], $0x2FFFF;
	_ =	strace $0x9FFFFFFF  }
0xc9: {  	(tm) =	ssettm $0x7FFFFFFF  }
tec
execute0_lowered:
.L_overlay_start_1:
0x0: {  	(tag) =	ssettag $0x1  }
0x1: {  	s1 =	rddreg [dreg:$0x0]  }
0x2: {  	s4 =	rddreg [dreg:$0x1]  }
0x3: {  	s11 =	rddreg [dreg:$0x2]  }
0x4: {  	s0 =	rddreg [dreg:$0x3]  }
0x5: {  	s3 =	simm.s32 $0x0;
	s5 =	srdreg.scid;
	s2 =	stileid.u32  }
0x6: {  	s15 =	simm.s32 $0x880;
	s16 =	simm.s32 $0x1080;
	s17 =	simm.s32 $0x1880  }
0x7: {  	s18 =	simm.s32 $0x2080;
	s19 =	simm.s32 $0x2880;
	s20 =	simm.s32 $0x3080  }
0x8: {  	s28 =	simm.s32 $0x6880;
	s29 =	simm.s32 $0x7080;
	s30 =	simm.s32 $0x7880  }
0x9: {  	s31 =	simm.s32 $0x1;
	[smem:$0x7FF] =	sst s3;
	s5 =	sand.u32 $0x1, s5  }
0xa: {  	s7 =	sshll.u32 s2, $0xA;
	s6 =	ssub.s32 $0x2, s5;
	s5 =	sshll.u32 s5, $0x9  }
0xb: {  	s10 =	sadd.s32 $0x1400, s4;
	s21 =	sshrl.u32 s6, $0x1;
	s9 =	sor.u32 s5, s7  }
0xc: {  	_ =	strace $0x80000047;
	s12 =	ssub.s32 s6, s21;
	s22 =	sshrl.u32 s9, $0x3  }
0xd: {  	s5 =	sshll.u32 s9, $0x5;
	s23 =	sor.u32 $0x80, s9;
	s13 =	sor.u32 $0x100, s9  }
0xe: {  	s14 =	sor.u32 $0x180, s9;
	s21 =	simm.s32 $0x3880;
	s4 =	sadd.s32 s10, s22  }
0xf: {  	s5 =	sadd.s32 s11, s5;
	s24 =	sshrl.u32 s23, $0x3;
	s8 =	sshll.u32 s23, $0x5  }
0x10: {  	s25 =	sshrl.u32 s13, $0x3;
	s13 =	sshll.u32 s13, $0x5;
	s26 =	sshrl.u32 s14, $0x3  }
0x11: {  	s14 =	sshll.u32 s14, $0x5;
	s12 =	smax.u32 s12, $0x1;
	s22 =	simm.s32 $0x4080  }
0x12: {  	s23 =	simm.s32 $0x4880;
	s6 =	sadd.s32 s10, s24;
	s7 =	sadd.s32 s11, s8  }
0x13: {  	v2 =	vlaneseq.u32;
	s8 =	sadd.s32 s10, s25;
	s9 =	sadd.s32 s11, s13;
	s10 =	sadd.s32 s10, s26  }
0x14: {  	vm0 =	vmmov $0xffff;
	v1 =	vshrl.u32 v2, $0x3;
	s11 =	sadd.s32 s11, s14;
	s13 =	simm.s32 $0x2;
	s14 =	simm.s32 $0x80  }
0x15: {  	v0 =	vand.u32 $0x7, v2;
	v2 =	vor.u32 $0x8, v2;
	v1 =	vmul.u32 $0x8, v1;
	s24 =	simm.s32 $0x5080;
	s25 =	simm.s32 $0x5880;
	s26 =	simm.s32 $0x6080  }
.LBB2_1:
0x16: {  	[tilespmem:s3], [sflag:$0x2] =	stream.linear.gather [hbm4b:s4+s3], $0x80, $0x38;
	[tilespmem:$0x8080] =	vst v63  }
0x17: {  	_ =	swait.ge [sflag:s13], $0x80  }
0x18: {  	[sflag:s13] =	ssyncset.done $0x0  }
0x19: {  	[sflag:s13] =	ssyncadd.s32 $0xFFFFFF80  }
0x1a: {  	v3 =	vld [tilespmem:$0x0];
	_ =	sdelay $0x4  }
0x1b: {  	v4 =	vshll.u32 v3, $0x1  }
0x1c: {  	v3 =	vand.u32 $0x7, v3;
	v4 =	vand.u32 $0xFFFFFFF0, v4  }
0x1d: {  	v3 =	vor.u32 v3, v4  }
0x1e: {  	v4 =	vperm.xlane v3, v0;
	_ =	sdelay $0x1  }
0x1f: {  	v3 =	vperm.xlane v3, v2;
	v4 =	vadd.s32 v1, v4;
	_ =	sdelay $0x1  }
0x20: {  	v3 =	vadd.s32 v1, v3;
	_ =	sdelay $0x2  }
0x21: {  	[tilespmem:s14], [sflag:$0x1] =	stream.indirect_vreg.gather [hbm4b:s1+s3], $0x80, v4, vm0, $0xb8;
	[tilespmem:$0x8080] =	vst v63  }
0x22: {  	_ = 	snop  }
0x23: {  	[tilespmem:s15], [sflag:$0x1] =	stream.indirect_vreg.gather [hbm4b:s1+s3], $0x80, v3, vm0, $0xb8;
	[tilespmem:$0x8080] =	vst v63  }
0x24: {  	v3 =	vld [tilespmem:$0x10];
	_ =	sdelay $0x4  }
0x25: {  	v33 =	vshll.u32 v3, $0x1  }
0x26: {  	v3 =	vand.u32 $0x7, v3;
	v4 =	vand.u32 $0xFFFFFFF0, v33  }
0x27: {  	v3 =	vor.u32 v3, v4  }
0x28: {  	v4 =	vperm.xlane v3, v0;
	_ =	sdelay $0x1  }
0x29: {  	v3 =	vperm.xlane v3, v2;
	v4 =	vadd.s32 v1, v4;
	_ =	sdelay $0x1  }
0x2a: {  	v3 =	vadd.s32 v1, v3;
	_ =	sdelay $0x2  }
0x2b: {  	[tilespmem:s16], [sflag:$0x1] =	stream.indirect_vreg.gather [hbm4b:s1+s3], $0x80, v4, vm0, $0xb8;
	[tilespmem:$0x8080] =	vst v63  }
0x2c: {  	_ = 	snop  }
0x2d: {  	[tilespmem:s17], [sflag:$0x1] =	stream.indirect_vreg.gather [hbm4b:s1+s3], $0x80, v3, vm0, $0xb8;
	[tilespmem:$0x8080] =	vst v63  }
0x2e: {  	v3 =	vld [tilespmem:$0x20];
	_ =	sdelay $0x4  }
0x2f: {  	v34 =	vshll.u32 v3, $0x1  }
0x30: {  	v3 =	vand.u32 $0x7, v3;
	v4 =	vand.u32 $0xFFFFFFF0, v34  }
0x31: {  	v3 =	vor.u32 v3, v4  }
0x32: {  	v4 =	vperm.xlane v3, v0;
	_ =	sdelay $0x1  }
0x33: {  	v3 =	vperm.xlane v3, v2;
	v4 =	vadd.s32 v1, v4;
	_ =	sdelay $0x1  }
0x34: {  	v3 =	vadd.s32 v1, v3;
	_ =	sdelay $0x2  }
0x35: {  	[tilespmem:s18], [sflag:$0x1] =	stream.indirect_vreg.gather [hbm4b:s1+s3], $0x80, v4, vm0, $0xb8;
	[tilespmem:$0x8080] =	vst v63  }
0x36: {  	_ = 	snop  }
0x37: {  	[tilespmem:s19], [sflag:$0x1] =	stream.indirect_vreg.gather [hbm4b:s1+s3], $0x80, v3, vm0, $0xb8;
	[tilespmem:$0x8080] =	vst v63  }
0x38: {  	v3 =	vld [tilespmem:$0x30];
	_ =	sdelay $0x4  }
0x39: {  	v35 =	vshll.u32 v3, $0x1  }
0x3a: {  	v3 =	vand.u32 $0x7, v3;
	v4 =	vand.u32 $0xFFFFFFF0, v35  }
0x3b: {  	v3 =	vor.u32 v3, v4  }
0x3c: {  	v4 =	vperm.xlane v3, v0;
	_ =	sdelay $0x1  }
0x3d: {  	v3 =	vperm.xlane v3, v2;
	v4 =	vadd.s32 v1, v4;
	_ =	sdelay $0x1  }
0x3e: {  	v3 =	vadd.s32 v1, v3;
	_ =	sdelay $0x2  }
0x3f: {  	[tilespmem:s20], [sflag:$0x1] =	stream.indirect_vreg.gather [hbm4b:s1+s3], $0x80, v4, vm0, $0xb8;
	[tilespmem:$0x8080] =	vst v63  }
0x40: {  	_ = 	snop  }
0x41: {  	[tilespmem:s21], [sflag:$0x1] =	stream.indirect_vreg.gather [hbm4b:s1+s3], $0x80, v3, vm0, $0xb8;
	[tilespmem:$0x8080] =	vst v63  }
0x42: {  	v3 =	vld [tilespmem:$0x40];
	_ =	sdelay $0x4  }
0x43: {  	v36 =	vshll.u32 v3, $0x1  }
0x44: {  	v3 =	vand.u32 $0x7, v3;
	v4 =	vand.u32 $0xFFFFFFF0, v36  }
0x45: {  	v3 =	vor.u32 v3, v4  }
0x46: {  	v4 =	vperm.xlane v3, v0;
	_ =	sdelay $0x1  }
0x47: {  	v3 =	vperm.xlane v3, v2;
	v4 =	vadd.s32 v1, v4;
	_ =	sdelay $0x1  }
0x48: {  	v3 =	vadd.s32 v1, v3;
	_ =	sdelay $0x2  }
0x49: {  	[tilespmem:s22], [sflag:$0x1] =	stream.indirect_vreg.gather [hbm4b:s1+s3], $0x80, v4, vm0, $0xb8;
	[tilespmem:$0x8080] =	vst v63  }
0x4a: {  	_ = 	snop  }
0x4b: {  	[tilespmem:s23], [sflag:$0x1] =	stream.indirect_vreg.gather [hbm4b:s1+s3], $0x80, v3, vm0, $0xb8;
	[tilespmem:$0x8080] =	vst v63  }
0x4c: {  	v3 =	vld [tilespmem:$0x50];
	_ =	sdelay $0x4  }
0x4d: {  	v37 =	vshll.u32 v3, $0x1  }
0x4e: {  	v3 =	vand.u32 $0x7, v3;
	v4 =	vand.u32 $0xFFFFFFF0, v37  }
0x4f: {  	v3 =	vor.u32 v3, v4  }
0x50: {  	v4 =	vperm.xlane v3, v0;
	_ =	sdelay $0x1  }
0x51: {  	v3 =	vperm.xlane v3, v2;
	v4 =	vadd.s32 v1, v4;
	_ =	sdelay $0x1  }
0x52: {  	v3 =	vadd.s32 v1, v3;
	_ =	sdelay $0x2  }
0x53: {  	[tilespmem:s24], [sflag:$0x1] =	stream.indirect_vreg.gather [hbm4b:s1+s3], $0x80, v4, vm0, $0xb8;
	[tilespmem:$0x8080] =	vst v63  }
0x54: {  	_ = 	snop  }
0x55: {  	[tilespmem:s25], [sflag:$0x1] =	stream.indirect_vreg.gather [hbm4b:s1+s3], $0x80, v3, vm0, $0xb8;
	[tilespmem:$0x8080] =	vst v63  }
0x56: {  	v3 =	vld [tilespmem:$0x60];
	_ =	sdelay $0x4  }
0x57: {  	v38 =	vshll.u32 v3, $0x1  }
0x58: {  	v3 =	vand.u32 $0x7, v3;
	v4 =	vand.u32 $0xFFFFFFF0, v38  }
0x59: {  	v3 =	vor.u32 v3, v4  }
0x5a: {  	v4 =	vperm.xlane v3, v0;
	_ =	sdelay $0x1  }
0x5b: {  	v3 =	vperm.xlane v3, v2;
	v4 =	vadd.s32 v1, v4;
	_ =	sdelay $0x1  }
0x5c: {  	v3 =	vadd.s32 v1, v3;
	_ =	sdelay $0x2  }
0x5d: {  	[tilespmem:s26], [sflag:$0x1] =	stream.indirect_vreg.gather [hbm4b:s1+s3], $0x80, v4, vm0, $0xb8;
	[tilespmem:$0x8080] =	vst v63  }
0x5e: {  	_ = 	snop  }
0x5f: {  	[tilespmem:s28], [sflag:$0x1] =	stream.indirect_vreg.gather [hbm4b:s1+s3], $0x80, v3, vm0, $0xb8;
	[tilespmem:$0x8080] =	vst v63  }
0x60: {  	v3 =	vld [tilespmem:$0x70];
	_ =	sdelay $0x4  }
0x61: {  	v39 =	vshll.u32 v3, $0x1  }
0x62: {  	v3 =	vand.u32 $0x7, v3;
	v4 =	vand.u32 $0xFFFFFFF0, v39  }
0x63: {  	v3 =	vor.u32 v3, v4  }
0x64: {  	v4 =	vperm.xlane v3, v0;
	_ =	sdelay $0x1  }
0x65: {  	v3 =	vperm.xlane v3, v2;
	v4 =	vadd.s32 v1, v4;
	_ =	sdelay $0x1  }
0x66: {  	v3 =	vadd.s32 v1, v3;
	_ =	sdelay $0x2  }
0x67: {  	[tilespmem:s29], [sflag:$0x1] =	stream.indirect_vreg.gather [hbm4b:s1+s3], $0x80, v4, vm0, $0xb8;
	[tilespmem:$0x8080] =	vst v63  }
0x68: {  	_ = 	snop  }
0x69: {  	[tilespmem:s30], [sflag:$0x1] =	stream.indirect_vreg.gather [hbm4b:s1+s3], $0x80, v3, vm0, $0xb8;
	[tilespmem:$0x8080] =	vst v63  }
0x6a: {  	_ =	swait.ge [sflag:s31], $0x8000  }
0x6b: {  	[sflag:s31] =	ssyncset.done $0x0  }
0x6c: {  	[sflag:s31] =	ssyncadd.s32 $0xFFFF8000  }
0x6d: {  	[hbm4b:s5+s3] =	stream.linear.scatter [tilespmem:s14], [sflag:$0x2], $0x8000, $0x38;
	[tilespmem:$0x8080] =	vst v63  }
0x6e: {  	_ =	swait.ge [sflag:s13], $0x8000  }
0x6f: {  	[sflag:s13] =	ssyncset.done $0x0  }
0x70: {  	[sflag:s13] =	ssyncadd.s32 $0xFFFF8000  }
0x71: {  	[tilespmem:s3], [sflag:$0x2] =	stream.linear.gather [hbm4b:s6+s3], $0x80, $0x38;
	[tilespmem:$0x8080] =	vst v63  }
0x72: {  	_ =	swait.ge [sflag:s13], $0x80  }
0x73: {  	[sflag:s13] =	ssyncset.done $0x0  }
0x74: {  	[sflag:s13] =	ssyncadd.s32 $0xFFFFFF80  }
0x75: {  	v3 =	vld [tilespmem:$0x0];
	_ =	sdelay $0x4  }
0x76: {  	v40 =	vshll.u32 v3, $0x1  }
0x77: {  	v3 =	vand.u32 $0x7, v3;
	v4 =	vand.u32 $0xFFFFFFF0, v40  }
0x78: {  	v3 =	vor.u32 v3, v4  }
0x79: {  	v4 =	vperm.xlane v3, v0;
	_ =	sdelay $0x1  }
0x7a: {  	v3 =	vperm.xlane v3, v2;
	v4 =	vadd.s32 v1, v4;
	_ =	sdelay $0x1  }
0x7b: {  	v3 =	vadd.s32 v1, v3;
	_ =	sdelay $0x2  }
0x7c: {  	[tilespmem:s14], [sflag:$0x1] =	stream.indirect_vreg.gather [hbm4b:s1+s3], $0x80, v4, vm0, $0xb8;
	[tilespmem:$0x8080] =	vst v63  }
0x7d: {  	_ = 	snop  }
0x7e: {  	[tilespmem:s15], [sflag:$0x1] =	stream.indirect_vreg.gather [hbm4b:s1+s3], $0x80, v3, vm0, $0xb8;
	[tilespmem:$0x8080] =	vst v63  }
0x7f: {  	v3 =	vld [tilespmem:$0x10];
	_ =	sdelay $0x4  }
0x80: {  	v41 =	vshll.u32 v3, $0x1  }
0x81: {  	v3 =	vand.u32 $0x7, v3;
	v4 =	vand.u32 $0xFFFFFFF0, v41  }
0x82: {  	v3 =	vor.u32 v3, v4  }
0x83: {  	v4 =	vperm.xlane v3, v0;
	_ =	sdelay $0x1  }
0x84: {  	v3 =	vperm.xlane v3, v2;
	v4 =	vadd.s32 v1, v4;
	_ =	sdelay $0x1  }
0x85: {  	v3 =	vadd.s32 v1, v3;
	_ =	sdelay $0x2  }
0x86: {  	[tilespmem:s16], [sflag:$0x1] =	stream.indirect_vreg.gather [hbm4b:s1+s3], $0x80, v4, vm0, $0xb8;
	[tilespmem:$0x8080] =	vst v63  }
0x87: {  	_ = 	snop  }
0x88: {  	[tilespmem:s17], [sflag:$0x1] =	stream.indirect_vreg.gather [hbm4b:s1+s3], $0x80, v3, vm0, $0xb8;
	[tilespmem:$0x8080] =	vst v63  }
0x89: {  	v3 =	vld [tilespmem:$0x20];
	_ =	sdelay $0x4  }
0x8a: {  	v42 =	vshll.u32 v3, $0x1  }
0x8b: {  	v3 =	vand.u32 $0x7, v3;
	v4 =	vand.u32 $0xFFFFFFF0, v42  }
0x8c: {  	v3 =	vor.u32 v3, v4  }
0x8d: {  	v4 =	vperm.xlane v3, v0;
	_ =	sdelay $0x1  }
0x8e: {  	v3 =	vperm.xlane v3, v2;
	v4 =	vadd.s32 v1, v4;
	_ =	sdelay $0x1  }
0x8f: {  	v3 =	vadd.s32 v1, v3;
	_ =	sdelay $0x2  }
0x90: {  	[tilespmem:s18], [sflag:$0x1] =	stream.indirect_vreg.gather [hbm4b:s1+s3], $0x80, v4, vm0, $0xb8;
	[tilespmem:$0x8080] =	vst v63  }
0x91: {  	_ = 	snop  }
0x92: {  	[tilespmem:s19], [sflag:$0x1] =	stream.indirect_vreg.gather [hbm4b:s1+s3], $0x80, v3, vm0, $0xb8;
	[tilespmem:$0x8080] =	vst v63  }
0x93: {  	v3 =	vld [tilespmem:$0x30];
	_ =	sdelay $0x4  }
0x94: {  	v43 =	vshll.u32 v3, $0x1  }
0x95: {  	v3 =	vand.u32 $0x7, v3;
	v4 =	vand.u32 $0xFFFFFFF0, v43  }
0x96: {  	v3 =	vor.u32 v3, v4  }
0x97: {  	v4 =	vperm.xlane v3, v0;
	_ =	sdelay $0x1  }
0x98: {  	v3 =	vperm.xlane v3, v2;
	v4 =	vadd.s32 v1, v4;
	_ =	sdelay $0x1  }
0x99: {  	v3 =	vadd.s32 v1, v3;
	_ =	sdelay $0x2  }
0x9a: {  	[tilespmem:s20], [sflag:$0x1] =	stream.indirect_vreg.gather [hbm4b:s1+s3], $0x80, v4, vm0, $0xb8;
	[tilespmem:$0x8080] =	vst v63  }
0x9b: {  	_ = 	snop  }
0x9c: {  	[tilespmem:s21], [sflag:$0x1] =	stream.indirect_vreg.gather [hbm4b:s1+s3], $0x80, v3, vm0, $0xb8;
	[tilespmem:$0x8080] =	vst v63  }
0x9d: {  	v3 =	vld [tilespmem:$0x40];
	_ =	sdelay $0x4  }
0x9e: {  	v44 =	vshll.u32 v3, $0x1  }
0x9f: {  	v3 =	vand.u32 $0x7, v3;
	v4 =	vand.u32 $0xFFFFFFF0, v44  }
0xa0: {  	v3 =	vor.u32 v3, v4  }
0xa1: {  	v4 =	vperm.xlane v3, v0;
	_ =	sdelay $0x1  }
0xa2: {  	v3 =	vperm.xlane v3, v2;
	v4 =	vadd.s32 v1, v4;
	_ =	sdelay $0x1  }
0xa3: {  	v3 =	vadd.s32 v1, v3;
	_ =	sdelay $0x2  }
0xa4: {  	[tilespmem:s22], [sflag:$0x1] =	stream.indirect_vreg.gather [hbm4b:s1+s3], $0x80, v4, vm0, $0xb8;
	[tilespmem:$0x8080] =	vst v63  }
0xa5: {  	_ = 	snop  }
0xa6: {  	[tilespmem:s23], [sflag:$0x1] =	stream.indirect_vreg.gather [hbm4b:s1+s3], $0x80, v3, vm0, $0xb8;
	[tilespmem:$0x8080] =	vst v63  }
0xa7: {  	v3 =	vld [tilespmem:$0x50];
	_ =	sdelay $0x4  }
0xa8: {  	v45 =	vshll.u32 v3, $0x1  }
0xa9: {  	v3 =	vand.u32 $0x7, v3;
	v4 =	vand.u32 $0xFFFFFFF0, v45  }
0xaa: {  	v3 =	vor.u32 v3, v4  }
0xab: {  	v4 =	vperm.xlane v3, v0;
	_ =	sdelay $0x1  }
0xac: {  	v3 =	vperm.xlane v3, v2;
	v4 =	vadd.s32 v1, v4;
	_ =	sdelay $0x1  }
0xad: {  	v3 =	vadd.s32 v1, v3;
	_ =	sdelay $0x2  }
0xae: {  	[tilespmem:s24], [sflag:$0x1] =	stream.indirect_vreg.gather [hbm4b:s1+s3], $0x80, v4, vm0, $0xb8;
	[tilespmem:$0x8080] =	vst v63  }
0xaf: {  	_ = 	snop  }
0xb0: {  	[tilespmem:s25], [sflag:$0x1] =	stream.indirect_vreg.gather [hbm4b:s1+s3], $0x80, v3, vm0, $0xb8;
	[tilespmem:$0x8080] =	vst v63  }
0xb1: {  	v3 =	vld [tilespmem:$0x60];
	_ =	sdelay $0x4  }
0xb2: {  	v46 =	vshll.u32 v3, $0x1  }
0xb3: {  	v3 =	vand.u32 $0x7, v3;
	v4 =	vand.u32 $0xFFFFFFF0, v46  }
0xb4: {  	v3 =	vor.u32 v3, v4  }
0xb5: {  	v4 =	vperm.xlane v3, v0;
	_ =	sdelay $0x1  }
0xb6: {  	v3 =	vperm.xlane v3, v2;
	v4 =	vadd.s32 v1, v4;
	_ =	sdelay $0x1  }
0xb7: {  	v3 =	vadd.s32 v1, v3;
	_ =	sdelay $0x2  }
0xb8: {  	[tilespmem:s26], [sflag:$0x1] =	stream.indirect_vreg.gather [hbm4b:s1+s3], $0x80, v4, vm0, $0xb8;
	[tilespmem:$0x8080] =	vst v63  }
0xb9: {  	_ = 	snop  }
0xba: {  	[tilespmem:s28], [sflag:$0x1] =	stream.indirect_vreg.gather [hbm4b:s1+s3], $0x80, v3, vm0, $0xb8;
	[tilespmem:$0x8080] =	vst v63  }
0xbb: {  	v3 =	vld [tilespmem:$0x70];
	_ =	sdelay $0x4  }
0xbc: {  	v47 =	vshll.u32 v3, $0x1  }
0xbd: {  	v3 =	vand.u32 $0x7, v3;
	v4 =	vand.u32 $0xFFFFFFF0, v47  }
0xbe: {  	v3 =	vor.u32 v3, v4  }
0xbf: {  	v4 =	vperm.xlane v3, v0;
	_ =	sdelay $0x1  }
0xc0: {  	v3 =	vperm.xlane v3, v2;
	v4 =	vadd.s32 v1, v4;
	_ =	sdelay $0x1  }
0xc1: {  	v3 =	vadd.s32 v1, v3;
	_ =	sdelay $0x2  }
0xc2: {  	[tilespmem:s29], [sflag:$0x1] =	stream.indirect_vreg.gather [hbm4b:s1+s3], $0x80, v4, vm0, $0xb8;
	[tilespmem:$0x8080] =	vst v63  }
0xc3: {  	_ = 	snop  }
0xc4: {  	[tilespmem:s30], [sflag:$0x1] =	stream.indirect_vreg.gather [hbm4b:s1+s3], $0x80, v3, vm0, $0xb8;
	[tilespmem:$0x8080] =	vst v63  }
0xc5: {  	_ =	swait.ge [sflag:s31], $0x8000  }
0xc6: {  	[sflag:s31] =	ssyncset.done $0x0  }
0xc7: {  	[sflag:s31] =	ssyncadd.s32 $0xFFFF8000  }
0xc8: {  	[hbm4b:s7+s3] =	stream.linear.scatter [tilespmem:s14], [sflag:$0x2], $0x8000, $0x38;
	[tilespmem:$0x8080] =	vst v63  }
0xc9: {  	_ =	swait.ge [sflag:s13], $0x8000  }
0xca: {  	[sflag:s13] =	ssyncset.done $0x0  }
0xcb: {  	[sflag:s13] =	ssyncadd.s32 $0xFFFF8000  }
0xcc: {  	[tilespmem:s3], [sflag:$0x2] =	stream.linear.gather [hbm4b:s8+s3], $0x80, $0x38;
	[tilespmem:$0x8080] =	vst v63  }
0xcd: {  	_ =	swait.ge [sflag:s13], $0x80  }
0xce: {  	[sflag:s13] =	ssyncset.done $0x0  }
0xcf: {  	[sflag:s13] =	ssyncadd.s32 $0xFFFFFF80  }
0xd0: {  	v3 =	vld [tilespmem:$0x0];
	_ =	sdelay $0x4  }
0xd1: {  	v48 =	vshll.u32 v3, $0x1  }
0xd2: {  	v3 =	vand.u32 $0x7, v3;
	v4 =	vand.u32 $0xFFFFFFF0, v48  }
0xd3: {  	v3 =	vor.u32 v3, v4  }
0xd4: {  	v4 =	vperm.xlane v3, v0;
	_ =	sdelay $0x1  }
0xd5: {  	v3 =	vperm.xlane v3, v2;
	v4 =	vadd.s32 v1, v4;
	_ =	sdelay $0x1  }
0xd6: {  	v3 =	vadd.s32 v1, v3;
	_ =	sdelay $0x2  }
0xd7: {  	[tilespmem:s14], [sflag:$0x1] =	stream.indirect_vreg.gather [hbm4b:s1+s3], $0x80, v4, vm0, $0xb8;
	[tilespmem:$0x8080] =	vst v63  }
0xd8: {  	_ = 	snop  }
0xd9: {  	[tilespmem:s15], [sflag:$0x1] =	stream.indirect_vreg.gather [hbm4b:s1+s3], $0x80, v3, vm0, $0xb8;
	[tilespmem:$0x8080] =	vst v63  }
0xda: {  	v3 =	vld [tilespmem:$0x10];
	_ =	sdelay $0x4  }
0xdb: {  	v49 =	vshll.u32 v3, $0x1  }
0xdc: {  	v3 =	vand.u32 $0x7, v3;
	v4 =	vand.u32 $0xFFFFFFF0, v49  }
0xdd: {  	v3 =	vor.u32 v3, v4  }
0xde: {  	v4 =	vperm.xlane v3, v0;
	_ =	sdelay $0x1  }
0xdf: {  	v3 =	vperm.xlane v3, v2;
	v4 =	vadd.s32 v1, v4;
	_ =	sdelay $0x1  }
0xe0: {  	v3 =	vadd.s32 v1, v3;
	_ =	sdelay $0x2  }
0xe1: {  	[tilespmem:s16], [sflag:$0x1] =	stream.indirect_vreg.gather [hbm4b:s1+s3], $0x80, v4, vm0, $0xb8;
	[tilespmem:$0x8080] =	vst v63  }
0xe2: {  	_ = 	snop  }
0xe3: {  	[tilespmem:s17], [sflag:$0x1] =	stream.indirect_vreg.gather [hbm4b:s1+s3], $0x80, v3, vm0, $0xb8;
	[tilespmem:$0x8080] =	vst v63  }
0xe4: {  	v3 =	vld [tilespmem:$0x20];
	_ =	sdelay $0x4  }
0xe5: {  	v50 =	vshll.u32 v3, $0x1  }
0xe6: {  	v3 =	vand.u32 $0x7, v3;
	v4 =	vand.u32 $0xFFFFFFF0, v50  }
0xe7: {  	v3 =	vor.u32 v3, v4  }
0xe8: {  	v4 =	vperm.xlane v3, v0;
	_ =	sdelay $0x1  }
0xe9: {  	v3 =	vperm.xlane v3, v2;
	v4 =	vadd.s32 v1, v4;
	_ =	sdelay $0x1  }
0xea: {  	v3 =	vadd.s32 v1, v3;
	_ =	sdelay $0x2  }
0xeb: {  	[tilespmem:s18], [sflag:$0x1] =	stream.indirect_vreg.gather [hbm4b:s1+s3], $0x80, v4, vm0, $0xb8;
	[tilespmem:$0x8080] =	vst v63  }
0xec: {  	_ = 	snop  }
0xed: {  	[tilespmem:s19], [sflag:$0x1] =	stream.indirect_vreg.gather [hbm4b:s1+s3], $0x80, v3, vm0, $0xb8;
	[tilespmem:$0x8080] =	vst v63  }
0xee: {  	v3 =	vld [tilespmem:$0x30];
	_ =	sdelay $0x4  }
0xef: {  	v51 =	vshll.u32 v3, $0x1  }
0xf0: {  	v3 =	vand.u32 $0x7, v3;
	v4 =	vand.u32 $0xFFFFFFF0, v51  }
0xf1: {  	v3 =	vor.u32 v3, v4  }
0xf2: {  	v4 =	vperm.xlane v3, v0;
	_ =	sdelay $0x1  }
0xf3: {  	v3 =	vperm.xlane v3, v2;
	v4 =	vadd.s32 v1, v4;
	_ =	sdelay $0x1  }
0xf4: {  	v3 =	vadd.s32 v1, v3;
	_ =	sdelay $0x2  }
0xf5: {  	[tilespmem:s20], [sflag:$0x1] =	stream.indirect_vreg.gather [hbm4b:s1+s3], $0x80, v4, vm0, $0xb8;
	[tilespmem:$0x8080] =	vst v63  }
0xf6: {  	_ = 	snop  }
0xf7: {  	[tilespmem:s21], [sflag:$0x1] =	stream.indirect_vreg.gather [hbm4b:s1+s3], $0x80, v3, vm0, $0xb8;
	[tilespmem:$0x8080] =	vst v63  }
0xf8: {  	v3 =	vld [tilespmem:$0x40];
	_ =	sdelay $0x4  }
0xf9: {  	v52 =	vshll.u32 v3, $0x1  }
0xfa: {  	v3 =	vand.u32 $0x7, v3;
	v4 =	vand.u32 $0xFFFFFFF0, v52  }
0xfb: {  	v3 =	vor.u32 v3, v4  }
0xfc: {  	v4 =	vperm.xlane v3, v0;
	_ =	sdelay $0x1  }
0xfd: {  	v3 =	vperm.xlane v3, v2;
	v4 =	vadd.s32 v1, v4;
	_ =	sdelay $0x1  }
0xfe: {  	v3 =	vadd.s32 v1, v3;
	_ =	sdelay $0x2  }
0xff: {  	[tilespmem:s22], [sflag:$0x1] =	stream.indirect_vreg.gather [hbm4b:s1+s3], $0x80, v4, vm0, $0xb8;
	[tilespmem:$0x8080] =	vst v63  }
0x100: {  	_ = 	snop  }
0x101: {  	[tilespmem:s23], [sflag:$0x1] =	stream.indirect_vreg.gather [hbm4b:s1+s3], $0x80, v3, vm0, $0xb8;
	[tilespmem:$0x8080] =	vst v63  }
0x102: {  	v3 =	vld [tilespmem:$0x50];
	_ =	sdelay $0x4  }
0x103: {  	v53 =	vshll.u32 v3, $0x1  }
0x104: {  	v3 =	vand.u32 $0x7, v3;
	v4 =	vand.u32 $0xFFFFFFF0, v53  }
0x105: {  	v3 =	vor.u32 v3, v4  }
0x106: {  	v4 =	vperm.xlane v3, v0;
	_ =	sdelay $0x1  }
0x107: {  	v3 =	vperm.xlane v3, v2;
	v4 =	vadd.s32 v1, v4;
	_ =	sdelay $0x1  }
0x108: {  	v3 =	vadd.s32 v1, v3;
	_ =	sdelay $0x2  }
0x109: {  	[tilespmem:s24], [sflag:$0x1] =	stream.indirect_vreg.gather [hbm4b:s1+s3], $0x80, v4, vm0, $0xb8;
	[tilespmem:$0x8080] =	vst v63  }
0x10a: {  	_ = 	snop  }
0x10b: {  	[tilespmem:s25], [sflag:$0x1] =	stream.indirect_vreg.gather [hbm4b:s1+s3], $0x80, v3, vm0, $0xb8;
	[tilespmem:$0x8080] =	vst v63  }
0x10c: {  	v3 =	vld [tilespmem:$0x60];
	_ =	sdelay $0x4  }
0x10d: {  	v54 =	vshll.u32 v3, $0x1  }
0x10e: {  	v3 =	vand.u32 $0x7, v3;
	v4 =	vand.u32 $0xFFFFFFF0, v54  }
0x10f: {  	v3 =	vor.u32 v3, v4  }
0x110: {  	v4 =	vperm.xlane v3, v0;
	_ =	sdelay $0x1  }
0x111: {  	v3 =	vperm.xlane v3, v2;
	v4 =	vadd.s32 v1, v4;
	_ =	sdelay $0x1  }
0x112: {  	v3 =	vadd.s32 v1, v3;
	_ =	sdelay $0x2  }
0x113: {  	[tilespmem:s26], [sflag:$0x1] =	stream.indirect_vreg.gather [hbm4b:s1+s3], $0x80, v4, vm0, $0xb8;
	[tilespmem:$0x8080] =	vst v63  }
0x114: {  	_ = 	snop  }
0x115: {  	[tilespmem:s28], [sflag:$0x1] =	stream.indirect_vreg.gather [hbm4b:s1+s3], $0x80, v3, vm0, $0xb8;
	[tilespmem:$0x8080] =	vst v63  }
0x116: {  	v3 =	vld [tilespmem:$0x70];
	_ =	sdelay $0x4  }
0x117: {  	v55 =	vshll.u32 v3, $0x1  }
0x118: {  	v3 =	vand.u32 $0x7, v3;
	v4 =	vand.u32 $0xFFFFFFF0, v55  }
0x119: {  	v3 =	vor.u32 v3, v4  }
0x11a: {  	v4 =	vperm.xlane v3, v0;
	_ =	sdelay $0x1  }
0x11b: {  	v3 =	vperm.xlane v3, v2;
	v4 =	vadd.s32 v1, v4;
	_ =	sdelay $0x1  }
0x11c: {  	v3 =	vadd.s32 v1, v3;
	_ =	sdelay $0x2  }
0x11d: {  	[tilespmem:s29], [sflag:$0x1] =	stream.indirect_vreg.gather [hbm4b:s1+s3], $0x80, v4, vm0, $0xb8;
	[tilespmem:$0x8080] =	vst v63  }
0x11e: {  	_ = 	snop  }
0x11f: {  	[tilespmem:s30], [sflag:$0x1] =	stream.indirect_vreg.gather [hbm4b:s1+s3], $0x80, v3, vm0, $0xb8;
	[tilespmem:$0x8080] =	vst v63  }
0x120: {  	_ =	swait.ge [sflag:s31], $0x8000  }
0x121: {  	[sflag:s31] =	ssyncset.done $0x0  }
0x122: {  	[sflag:s31] =	ssyncadd.s32 $0xFFFF8000  }
0x123: {  	[hbm4b:s9+s3] =	stream.linear.scatter [tilespmem:s14], [sflag:$0x2], $0x8000, $0x38;
	[tilespmem:$0x8080] =	vst v63  }
0x124: {  	_ =	swait.ge [sflag:s13], $0x8000  }
0x125: {  	[sflag:s13] =	ssyncset.done $0x0  }
0x126: {  	[sflag:s13] =	ssyncadd.s32 $0xFFFF8000  }
0x127: {  	[tilespmem:s3], [sflag:$0x2] =	stream.linear.gather [hbm4b:s10+s3], $0x80, $0x38;
	[tilespmem:$0x8080] =	vst v63  }
0x128: {  	_ =	swait.ge [sflag:s13], $0x80  }
0x129: {  	[sflag:s13] =	ssyncset.done $0x0  }
0x12a: {  	[sflag:s13] =	ssyncadd.s32 $0xFFFFFF80  }
0x12b: {  	v3 =	vld [tilespmem:$0x0];
	_ =	sdelay $0x4  }
0x12c: {  	v56 =	vshll.u32 v3, $0x1  }
0x12d: {  	v3 =	vand.u32 $0x7, v3;
	v4 =	vand.u32 $0xFFFFFFF0, v56  }
0x12e: {  	v3 =	vor.u32 v3, v4  }
0x12f: {  	v4 =	vperm.xlane v3, v0;
	_ =	sdelay $0x1  }
0x130: {  	v3 =	vperm.xlane v3, v2;
	v4 =	vadd.s32 v1, v4;
	_ =	sdelay $0x1  }
0x131: {  	v3 =	vadd.s32 v1, v3;
	_ =	sdelay $0x2  }
0x132: {  	[tilespmem:s14], [sflag:$0x1] =	stream.indirect_vreg.gather [hbm4b:s1+s3], $0x80, v4, vm0, $0xb8;
	[tilespmem:$0x8080] =	vst v63  }
0x133: {  	_ = 	snop  }
0x134: {  	[tilespmem:s15], [sflag:$0x1] =	stream.indirect_vreg.gather [hbm4b:s1+s3], $0x80, v3, vm0, $0xb8;
	[tilespmem:$0x8080] =	vst v63  }
0x135: {  	v3 =	vld [tilespmem:$0x10];
	_ =	sdelay $0x4  }
0x136: {  	v57 =	vshll.u32 v3, $0x1  }
0x137: {  	v3 =	vand.u32 $0x7, v3;
	v4 =	vand.u32 $0xFFFFFFF0, v57  }
0x138: {  	v3 =	vor.u32 v3, v4  }
0x139: {  	v4 =	vperm.xlane v3, v0;
	_ =	sdelay $0x1  }
0x13a: {  	v3 =	vperm.xlane v3, v2;
	v4 =	vadd.s32 v1, v4;
	_ =	sdelay $0x1  }
0x13b: {  	v3 =	vadd.s32 v1, v3;
	_ =	sdelay $0x2  }
0x13c: {  	[tilespmem:s16], [sflag:$0x1] =	stream.indirect_vreg.gather [hbm4b:s1+s3], $0x80, v4, vm0, $0xb8;
	[tilespmem:$0x8080] =	vst v63  }
0x13d: {  	_ = 	snop  }
0x13e: {  	[tilespmem:s17], [sflag:$0x1] =	stream.indirect_vreg.gather [hbm4b:s1+s3], $0x80, v3, vm0, $0xb8;
	[tilespmem:$0x8080] =	vst v63  }
0x13f: {  	v3 =	vld [tilespmem:$0x20];
	_ =	sdelay $0x4  }
0x140: {  	v58 =	vshll.u32 v3, $0x1  }
0x141: {  	v3 =	vand.u32 $0x7, v3;
	v4 =	vand.u32 $0xFFFFFFF0, v58  }
0x142: {  	v3 =	vor.u32 v3, v4  }
0x143: {  	v4 =	vperm.xlane v3, v0;
	_ =	sdelay $0x1  }
0x144: {  	v3 =	vperm.xlane v3, v2;
	v4 =	vadd.s32 v1, v4;
	_ =	sdelay $0x1  }
0x145: {  	v3 =	vadd.s32 v1, v3;
	_ =	sdelay $0x2  }
0x146: {  	[tilespmem:s18], [sflag:$0x1] =	stream.indirect_vreg.gather [hbm4b:s1+s3], $0x80, v4, vm0, $0xb8;
	[tilespmem:$0x8080] =	vst v63  }
0x147: {  	_ = 	snop  }
0x148: {  	[tilespmem:s19], [sflag:$0x1] =	stream.indirect_vreg.gather [hbm4b:s1+s3], $0x80, v3, vm0, $0xb8;
	[tilespmem:$0x8080] =	vst v63  }
0x149: {  	v3 =	vld [tilespmem:$0x30];
	_ =	sdelay $0x4  }
0x14a: {  	v59 =	vshll.u32 v3, $0x1  }
0x14b: {  	v3 =	vand.u32 $0x7, v3;
	v4 =	vand.u32 $0xFFFFFFF0, v59  }
0x14c: {  	v3 =	vor.u32 v3, v4  }
0x14d: {  	v4 =	vperm.xlane v3, v0;
	_ =	sdelay $0x1  }
0x14e: {  	v3 =	vperm.xlane v3, v2;
	v4 =	vadd.s32 v1, v4;
	_ =	sdelay $0x1  }
0x14f: {  	v3 =	vadd.s32 v1, v3;
	_ =	sdelay $0x2  }
0x150: {  	[tilespmem:s20], [sflag:$0x1] =	stream.indirect_vreg.gather [hbm4b:s1+s3], $0x80, v4, vm0, $0xb8;
	[tilespmem:$0x8080] =	vst v63  }
0x151: {  	_ = 	snop  }
0x152: {  	[tilespmem:s21], [sflag:$0x1] =	stream.indirect_vreg.gather [hbm4b:s1+s3], $0x80, v3, vm0, $0xb8;
	[tilespmem:$0x8080] =	vst v63  }
0x153: {  	v3 =	vld [tilespmem:$0x40];
	_ =	sdelay $0x4  }
0x154: {  	v60 =	vshll.u32 v3, $0x1  }
0x155: {  	v3 =	vand.u32 $0x7, v3;
	v4 =	vand.u32 $0xFFFFFFF0, v60  }
0x156: {  	v3 =	vor.u32 v3, v4  }
0x157: {  	v4 =	vperm.xlane v3, v0;
	_ =	sdelay $0x1  }
0x158: {  	v3 =	vperm.xlane v3, v2;
	v4 =	vadd.s32 v1, v4;
	_ =	sdelay $0x1  }
0x159: {  	v3 =	vadd.s32 v1, v3;
	_ =	sdelay $0x2  }
0x15a: {  	[tilespmem:s22], [sflag:$0x1] =	stream.indirect_vreg.gather [hbm4b:s1+s3], $0x80, v4, vm0, $0xb8;
	[tilespmem:$0x8080] =	vst v63  }
0x15b: {  	_ = 	snop  }
0x15c: {  	[tilespmem:s23], [sflag:$0x1] =	stream.indirect_vreg.gather [hbm4b:s1+s3], $0x80, v3, vm0, $0xb8;
	[tilespmem:$0x8080] =	vst v63  }
0x15d: {  	v3 =	vld [tilespmem:$0x50];
	_ =	sdelay $0x4  }
0x15e: {  	v61 =	vshll.u32 v3, $0x1  }
0x15f: {  	v3 =	vand.u32 $0x7, v3;
	v4 =	vand.u32 $0xFFFFFFF0, v61  }
0x160: {  	v3 =	vor.u32 v3, v4  }
0x161: {  	v4 =	vperm.xlane v3, v0;
	_ =	sdelay $0x1  }
0x162: {  	v3 =	vperm.xlane v3, v2;
	v4 =	vadd.s32 v1, v4;
	_ =	sdelay $0x1  }
0x163: {  	v3 =	vadd.s32 v1, v3;
	_ =	sdelay $0x2  }
0x164: {  	[tilespmem:s24], [sflag:$0x1] =	stream.indirect_vreg.gather [hbm4b:s1+s3], $0x80, v4, vm0, $0xb8;
	[tilespmem:$0x8080] =	vst v63  }
0x165: {  	_ = 	snop  }
0x166: {  	[tilespmem:s25], [sflag:$0x1] =	stream.indirect_vreg.gather [hbm4b:s1+s3], $0x80, v3, vm0, $0xb8;
	[tilespmem:$0x8080] =	vst v63  }
0x167: {  	v3 =	vld [tilespmem:$0x60];
	_ =	sdelay $0x4  }
0x168: {  	v62 =	vshll.u32 v3, $0x1  }
0x169: {  	v3 =	vand.u32 $0x7, v3;
	v4 =	vand.u32 $0xFFFFFFF0, v62  }
0x16a: {  	v3 =	vor.u32 v3, v4  }
0x16b: {  	v4 =	vperm.xlane v3, v0;
	_ =	sdelay $0x1  }
0x16c: {  	v3 =	vperm.xlane v3, v2;
	v4 =	vadd.s32 v1, v4;
	_ =	sdelay $0x1  }
0x16d: {  	v3 =	vadd.s32 v1, v3;
	_ =	sdelay $0x2  }
0x16e: {  	[tilespmem:s26], [sflag:$0x1] =	stream.indirect_vreg.gather [hbm4b:s1+s3], $0x80, v4, vm0, $0xb8;
	[tilespmem:$0x8080] =	vst v63  }
0x16f: {  	_ = 	snop  }
0x170: {  	[tilespmem:s28], [sflag:$0x1] =	stream.indirect_vreg.gather [hbm4b:s1+s3], $0x80, v3, vm0, $0xb8;
	[tilespmem:$0x8080] =	vst v63  }
0x171: {  	v3 =	vld [tilespmem:$0x70];
	_ =	sdelay $0x4  }
0x172: {  	v63 =	vshll.u32 v3, $0x1  }
0x173: {  	v3 =	vand.u32 $0x7, v3;
	v4 =	vand.u32 $0xFFFFFFF0, v63  }
0x174: {  	v3 =	vor.u32 v3, v4  }
0x175: {  	v4 =	vperm.xlane v3, v0;
	_ =	sdelay $0x1  }
0x176: {  	v3 =	vperm.xlane v3, v2;
	v4 =	vadd.s32 v1, v4;
	_ =	sdelay $0x1  }
0x177: {  	v3 =	vadd.s32 v1, v3;
	_ =	sdelay $0x2  }
0x178: {  	[tilespmem:s29], [sflag:$0x1] =	stream.indirect_vreg.gather [hbm4b:s1+s3], $0x80, v4, vm0, $0xb8;
	[tilespmem:$0x8080] =	vst v63  }
0x179: {  	_ = 	snop  }
0x17a: {  	[tilespmem:s30], [sflag:$0x1] =	stream.indirect_vreg.gather [hbm4b:s1+s3], $0x80, v3, vm0, $0xb8;
	[tilespmem:$0x8080] =	vst v63  }
0x17b: {  	_ =	swait.ge [sflag:s31], $0x8000  }
0x17c: {  	p0 =	sne.s32 s12, $0x1;
	[sflag:s31] =	ssyncset.done $0x0  }
.Ltmp0:
0x17d: {  	[sflag:s31] =	ssyncadd.s32 $0xFFFF8000;
	(pc) =	sbr.rel @p0 .LBB2_1-.Ltmp0, $4  }
0x17e: {  	[hbm4b:s11+s3] =	stream.linear.scatter [tilespmem:s14], [sflag:$0x2], $0x8000, $0x38;
	[tilespmem:$0x8080] =	vst v63  }
0x17f: {  	_ =	swait.ge [sflag:s13], $0x8000  }
0x180: {  	[sflag:s13] =	ssyncset.done $0x0  }
0x181: {  	s12 =	sadd.s32 $0xFFFFFFFF, s12;
	[sflag:s13] =	ssyncadd.s32 $0xFFFF8000  }
0x182: {  	_ =	sfence.sel $0x180000  }
0x183: {  	[bflag:$0x0] =	sbarrier.arrive $0xFFFF  }
0x184: {  	p0 =	sne.s32 s2, $0x0;
	_ =	strace $0x90000047  }
0x185: {  	s0 =	sadd.s32 @!p0 $0x100000, s0;
	[bflag:$0x2] =	sbarrier.arrive $0xFFFF  }
0x186: {  	[sflag:s0] =	ssyncadd.tile.s32 @!p0 $0x1;
	_ =	shalt  }
.Lfunc_end2:
_tile_overlayer_lowered:
.L_overlay_start_2:
0x187: {  	(tag) =	ssettag $0x2  }
0x188: {  	s0 =	rddreg [dreg:$0x0];
	s2 =	stileid.u32  }
0x189: {  	s1 =	rddreg [dreg:$0x1];
	p0 =	sne.s32 s2, $0x0  }
0x18a: {  	s3 =	rddreg [dreg:$0x2];
	[bflag:$0x3] =	sbarrier.arrive $0xFFFF;
	s2 =	simm.s32 @!p0 $0x1C02  }
0x18b: {  	[timem:s3], [sflag:s2] =	dma.local @!p0 [hbm:s0], s1  }
0x18c: {  	s0 =	simm.s32 @!p0 $0x2  }
0x18d: {  	_ =	swait.ge @!p0 [sflag:s0], s1  }
0x18e: {  	s1 =	ssub.s32 @!p0 $0x0, s1;
	[sflag:s0] =	ssyncset.done @!p0 $0x0  }
0x18f: {  	[sflag:s0] =	ssyncadd.s32 @!p0 s1  }
0x190: {  	[bflag:$0x3] =	sbarrier.arrive $0xFFFF  }
0x191: {  	_ =	shalt  }

</sc_bundles>
